<compile_context>
chip_gen: v7x
topology: tpu7x:2x2x1
jax: 0.10.2.dev20260603
libtpu: 0.0.44.dev20260713+nightly
codegen_flags: <defaults>
</compile_context>

<pallas_src>
import functools

import jax
import jax.numpy as jnp
from jax import lax
from jax.experimental import pallas as pl
from jax.experimental.pallas import tpu as pltpu
from jax.experimental.pallas import tpu_sc as plsc

BLK = 256
NGRAPH = 64
CH = 128
NTILES = 32



@functools.lru_cache(maxsize=None)
def _make_sc_agg(npad, d, ept):
    rows_per_tile = npad // 16
    nch = ept // CH
    assert nch % 2 == 0
    mesh = plsc.VectorSubcoreMesh(core_axis_name="c", subcore_axis_name="s")

    @functools.partial(
        pl.kernel,
        out_type=jax.ShapeDtypeStruct((2 * npad, d), jnp.float32),
        mesh=mesh,
        scratch_types=[
            pltpu.VMEM((ept,), jnp.int32),
            pltpu.VMEM((CH,), jnp.int32),
            pltpu.VMEM((CH,), jnp.int32),
            pltpu.VMEM((CH, d), jnp.float32),
            pltpu.VMEM((CH, d), jnp.float32),
            pltpu.VMEM_SHARED((npad, d), jnp.float32),
            pltpu.SemaphoreType.DMA,
            pltpu.SemaphoreType.DMA,
            pltpu.SemaphoreType.DMA,
            pltpu.SemaphoreType.DMA,
        ],
    )
    def sc_agg(g_hbm, src_hbm, dst_hbm, out_hbm, src_st, dst0, dst1,
               rows0, rows1, acc_sh, semg0, semg1, semi0, semi1):
        c = lax.axis_index("c")
        s = lax.axis_index("s")
        tid = s * 2 + c
        ebase = tid * ept
        pltpu.sync_copy(
            g_hbm.at[pl.ds(s * rows_per_tile, rows_per_tile)],
            acc_sh.at[pl.ds(s * rows_per_tile, rows_per_tile)],
        )
        pltpu.sync_copy(src_hbm.at[pl.ds(ebase, ept)], src_st)
        plsc.subcore_barrier()

        def fetch(j, dst_v, rows, semg, semi):
            pltpu.async_copy(dst_hbm.at[pl.ds(ebase + j * CH, CH)], dst_v, semi)
            pltpu.async_copy(g_hbm.at[src_st.at[pl.ds(j * CH, CH)]], rows, semg)

        def step(j, dst_v, rows, semg, semi, prefetch):
            pltpu.make_async_copy(
                g_hbm.at[src_st.at[pl.ds(j * CH, CH)]], rows, semg).wait()
            pltpu.make_async_copy(dst_hbm.at[pl.ds(0, CH)], dst_v, semi).wait()
            pltpu.sync_copy(rows, acc_sh.at[dst_v], add=True)
            if prefetch:
                fetch(j + 2, dst_v, rows, semg, semi)

        fetch(0, dst0, rows0, semg0, semi0)
        fetch(1, dst1, rows1, semg1, semi1)

        def body(i, carry):
            j = 2 * i
            step(j, dst0, rows0, semg0, semi0, True)
            step(j + 1, dst1, rows1, semg1, semi1, True)
            return carry

        lax.fori_loop(0, nch // 2 - 1, body, 0)
        step(nch - 2, dst0, rows0, semg0, semi0, False)
        step(nch - 1, dst1, rows1, semg1, semi1, False)

        plsc.subcore_barrier()
        pltpu.sync_copy(
            acc_sh.at[pl.ds(s * rows_per_tile, rows_per_tile)],
            out_hbm.at[pl.ds(c * npad + s * rows_per_tile, rows_per_tile)],
        )

    return sc_agg



def _mlp(hin, w1, b1, g1, be1, w2, b2):
    a = jnp.dot(hin, w1, preferred_element_type=jnp.float32) + b1
    a = jnp.maximum(a * g1 + be1, 0.0)
    return jnp.dot(a, w2, preferred_element_type=jnp.float32) + b2


def _onehot(b_ref):
    bidx = b_ref[0, 0, :].reshape(BLK, 1)
    io = lax.broadcasted_iota(jnp.int32, (BLK, NGRAPH), 1)
    return (bidx == io).astype(jnp.float32)


def _full(shape):
    nd = len(shape)
    return pl.BlockSpec(shape, lambda i: (0,) * nd)


def _rows(d):
    return pl.BlockSpec((BLK, d), lambda i: (i, 0))


@functools.lru_cache(maxsize=None)
def _make_tc1(npad, d):
    nb = npad // BLK
    p1off = npad // BLK

    def body(p_ref, q_ref, g_ref, w1, b1, g1, be1, w2, b2, bg, bb, ve, o_ref):
        hin = p_ref[...] + q_ref[...] - g_ref[...]
        h = _mlp(hin, w1[...], b1[...], g1[...], be1[...], w2[...], b2[...])
        h = jnp.maximum(h * bg[...] + bb[...], 0.0)
        o_ref[...] = h + ve[...]

    return pl.pallas_call(
        body,
        grid=(nb,),
        in_specs=[
            _rows(d),
            pl.BlockSpec((BLK, d), lambda i: (p1off + i, 0)),
            _rows(d),
            _full((d, 2 * d)), _full((1, 2 * d)), _full((1, 2 * d)), _full((1, 2 * d)),
            _full((2 * d, d)), _full((1, d)),
            _full((1, d)), _full((1, d)), _full((1, d)),
        ],
        out_specs=_rows(d),
        out_shape=jax.ShapeDtypeStruct((npad, d), jnp.float32),
    )


@functools.lru_cache(maxsize=None)
def _make_tc2(npad, d):
    nb = npad // BLK
    p1off = npad // BLK

    def body(p_ref, q_ref, g_ref, b_ref, w1, b1, g1, be1, w2, b2, bg, bb,
             post_ref, pool_ref):
        i = pl.program_id(0)
        hin = p_ref[...] + q_ref[...] - g_ref[...]
        h = _mlp(hin, w1[...], b1[...], g1[...], be1[...], w2[...], b2[...])
        h = jnp.maximum(h * bg[...] + bb[...], 0.0)
        post_ref[...] = h
        oh = _onehot(b_ref)

        @pl.when(i == 0)
        def _():
            pool_ref[...] = jnp.zeros_like(pool_ref)

        pool_ref[...] += lax.dot_general(
            oh, h, (((0,), (0,)), ((), ())), preferred_element_type=jnp.float32)

    return pl.pallas_call(
        body,
        grid=(nb,),
        in_specs=[
            _rows(d),
            pl.BlockSpec((BLK, d), lambda i: (p1off + i, 0)),
            _rows(d),
            pl.BlockSpec((1, 1, BLK), lambda i: (i, 0, 0)),
            _full((d, 2 * d)), _full((1, 2 * d)), _full((1, 2 * d)), _full((1, 2 * d)),
            _full((2 * d, d)), _full((1, d)),
            _full((1, d)), _full((1, d)),
        ],
        out_specs=[_rows(d), _full((NGRAPH, d))],
        out_shape=[
            jax.ShapeDtypeStruct((npad, d), jnp.float32),
            jax.ShapeDtypeStruct((NGRAPH, d), jnp.float32),
        ],
    )


@functools.lru_cache(maxsize=None)
def _make_tcv(npad, d):
    def body(post_ref, b_ref, pool_ref, ve, wa, ba, ga, bea, wb, bb2, gb, beb,
             o_ref, vf_ref):
        i = pl.program_id(0)

        @pl.when(i == 0)
        def _():
            h = pool_ref[...] + ve[...]
            a = jnp.dot(h, wa[...], preferred_element_type=jnp.float32) + ba[...]
            a = jnp.maximum(a * ga[...] + bea[...], 0.0)
            v = jnp.dot(a, wb[...], preferred_element_type=jnp.float32) + bb2[...]
            vf_ref[...] = jnp.maximum(v * gb[...] + beb[...], 0.0)

        oh = _onehot(b_ref)
        o_ref[...] = post_ref[...] + jnp.dot(
            oh, vf_ref[...], preferred_element_type=jnp.float32)

    return pl.pallas_call(
        body,
        grid=(npad // BLK,),
        in_specs=[
            _rows(d),
            pl.BlockSpec((1, 1, BLK), lambda i: (i, 0, 0)),
            _full((NGRAPH, d)), _full((1, d)),
            _full((d, 2 * d)), _full((1, 2 * d)), _full((1, 2 * d)), _full((1, 2 * d)),
            _full((2 * d, d)), _full((1, d)), _full((1, d)), _full((1, d)),
        ],
        out_specs=_rows(d),
        out_shape=jax.ShapeDtypeStruct((npad, d), jnp.float32),
        scratch_shapes=[pltpu.VMEM((NGRAPH, d), jnp.float32)],
    )


@functools.lru_cache(maxsize=None)
def _make_tc3(npad, d, ncls):
    nb = npad // BLK
    p1off = npad // BLK

    def body(p_ref, q_ref, g_ref, b_ref, w1, b1, g1, be1, w2, b2, bg, bb,
             wc, bc, o_ref, sum_scr, cnt_scr):
        i = pl.program_id(0)
        hin = p_ref[...] + q_ref[...] - g_ref[...]
        h = _mlp(hin, w1[...], b1[...], g1[...], be1[...], w2[...], b2[...])
        h = h * bg[...] + bb[...]
        oh = _onehot(b_ref)

        @pl.when(i == 0)
        def _():
            sum_scr[...] = jnp.zeros_like(sum_scr)
            cnt_scr[...] = jnp.zeros_like(cnt_scr)

        sum_scr[...] += lax.dot_general(
            oh, h, (((0,), (0,)), ((), ())), preferred_element_type=jnp.float32)
        cnt_scr[...] += jnp.sum(oh, axis=0).reshape(NGRAPH, 1)

        @pl.when(i == nb - 1)
        def _():
            readout = sum_scr[...] / jnp.maximum(cnt_scr[...], 1.0)
            o_ref[...] = jnp.dot(
                readout, wc[...], preferred_element_type=jnp.float32) + bc[...]

    return pl.pallas_call(
        body,
        grid=(nb,),
        in_specs=[
            _rows(d),
            pl.BlockSpec((BLK, d), lambda i: (p1off + i, 0)),
            _rows(d),
            pl.BlockSpec((1, 1, BLK), lambda i: (i, 0, 0)),
            _full((d, 2 * d)), _full((1, 2 * d)), _full((1, 2 * d)), _full((1, 2 * d)),
            _full((2 * d, d)), _full((1, d)),
            _full((1, d)), _full((1, d)),
            _full((d, ncls)), _full((1, ncls)),
        ],
        out_specs=_full((NGRAPH, ncls)),
        out_shape=jax.ShapeDtypeStruct((NGRAPH, ncls), jnp.float32),
        scratch_shapes=[
            pltpu.VMEM((NGRAPH, d), jnp.float32),
            pltpu.VMEM((NGRAPH, 1), jnp.float32),
        ],
    )


def _r2(v, w):
    return v.reshape(1, w)


def kernel(x, params, edge_index, batch):
    n, d = x.shape
    e = edge_index.shape[1]
    ncls = params["cls"]["Wc"].shape[1]

    npad = ((n + BLK) // BLK) * BLK
    ept = -(-e // (NTILES * 2 * CH)) * 2 * CH
    epad = NTILES * ept

    x_pad = jnp.zeros((npad, d), jnp.float32).at[:n].set(x)
    padrows = jnp.arange(epad - e, dtype=jnp.int32)
    src_pad = jnp.concatenate([edge_index[0], padrows % n])
    dst_pad = jnp.concatenate([edge_index[1], n + padrows % (npad - n)])
    batch3 = jnp.concatenate(
        [batch, jnp.full((npad - n,), NGRAPH, jnp.int32)]).reshape(npad // BLK, 1, BLK)

    sc_agg = _make_sc_agg(npad, d, ept)
    c1 = params["conv1"]
    bn1 = params["bn1"]
    vm = params["vmlp"]
    ve = params["vemb"]

    p = sc_agg(x_pad, src_pad, dst_pad)
    g2 = _make_tc1(npad, d)(
        p, p, x_pad,
        c1["W1"], _r2(c1["b1"], 2 * d), _r2(c1["g1"], 2 * d), _r2(c1["be1"], 2 * d),
        c1["W2"], _r2(c1["b2"], d),
        _r2(bn1["g"], d), _r2(bn1["b"], d), ve,
    )

    c2 = params["convs"][0]
    bn2 = params["bns"][0]
    p = sc_agg(g2, src_pad, dst_pad)
    post2, pooled = _make_tc2(npad, d)(
        p, p, g2, batch3,
        c2["W1"], _r2(c2["b1"], 2 * d), _r2(c2["g1"], 2 * d), _r2(c2["be1"], 2 * d),
        c2["W2"], _r2(c2["b2"], d),
        _r2(bn2["g"], d), _r2(bn2["b"], d),
    )

    g3 = _make_tcv(npad, d)(
        post2, batch3, pooled, ve,
        vm["Wa"], _r2(vm["ba"], 2 * d), _r2(vm["ga"], 2 * d), _r2(vm["bea"], 2 * d),
        vm["Wb"], _r2(vm["bb"], d), _r2(vm["gb"], d), _r2(vm["beb"], d),
    )

    c3 = params["convs"][1]
    bn3 = params["bns"][1]
    p = sc_agg(g3, src_pad, dst_pad)
    logits = _make_tc3(npad, d, ncls)(
        p, p, g3, batch3,
        c3["W1"], _r2(c3["b1"], 2 * d), _r2(c3["g1"], 2 * d), _r2(c3["be1"], 2 * d),
        c3["W2"], _r2(c3["b2"], d),
        _r2(bn3["g"], d), _r2(bn3["b"], d),
        params["cls"]["Wc"], _r2(params["cls"]["bc"], ncls),
    )
    return logits

# --- scband reference (transcript-rebuilt; emitter-appended) ---
"""Pipeline reference for scband-v-gin-16604343566536 (READ-ONLY COPY).

The authoritative reference and input builder live on the scoring server;
editing this copy changes nothing except your own understanding.
"""

import jax, jax.numpy as jnp
import numpy as np

N = 10000
E = 320000
D = 128
B = 64
C = 10


def _lin(k, din, dout):
    return 0.02 * jax.random.normal(k, (din, dout), dtype=jnp.float32), jnp.zeros((dout,), dtype=jnp.float32)


def setup_inputs(seed: int = 0):
    key = jax.random.key(seed)
    ks = jax.random.split(key, 16)
    x = jax.random.normal(ks[0], (N, D), dtype=jnp.float32)
    edge_index = jax.random.randint(ks[1], (2, E), 0, N, dtype=jnp.int32)
    batch = jnp.sort(jax.random.randint(ks[2], (N,), 0, B, dtype=jnp.int32))

    def conv_params(k):
        k1, k2, k3 = jax.random.split(k, 3)
        W1, b1 = _lin(k1, D, 2 * D)
        W2, b2 = _lin(k2, 2 * D, D)
        g1 = jnp.ones((2 * D,), jnp.float32) + 0.01 * jax.random.normal(k3, (2 * D,), jnp.float32)
        be1 = jnp.zeros((2 * D,), jnp.float32)
        return {"W1": W1, "b1": b1, "g1": g1, "be1": be1, "W2": W2, "b2": b2}

    Wa, ba = _lin(ks[7], D, 2 * D)
    Wb, bb = _lin(ks[8], 2 * D, D)
    Wc, bc = _lin(ks[9], D, C)
    params = {
        "conv1": conv_params(ks[3]),
        "convs": [conv_params(ks[4]), conv_params(ks[5])],
        "bn1": {"g": jnp.ones((D,), jnp.float32), "b": jnp.zeros((D,), jnp.float32)},
        "bns": [{"g": jnp.ones((D,), jnp.float32), "b": jnp.zeros((D,), jnp.float32)} for _ in range(2)],
        "vemb": 0.02 * jax.random.normal(ks[6], (1, D), dtype=jnp.float32),
        "vmlp": {"Wa": Wa, "ba": ba, "ga": jnp.ones((2 * D,), jnp.float32), "bea": jnp.zeros((2 * D,), jnp.float32),
                  "Wb": Wb, "bb": bb, "gb": jnp.ones((D,), jnp.float32), "beb": jnp.zeros((D,), jnp.float32)},
        "cls": {"Wc": Wc, "bc": bc},
    }
    return {"x": x, "params": params, "edge_index": edge_index, "batch": batch}


def _bn(h, g, b):
    # eval-mode BatchNorm1d with running_mean=0, running_var=1
    return h * g + b


def _gin_conv(x, edge_index, p):
    # GINConv: mlp((1 + eps) * x + sum_{j in N(i)} x_j), eps = 0
    src = edge_index[0]
    dst = edge_index[1]
    agg = jnp.zeros_like(x).at[dst].add(x[src])
    h = x + agg
    h = h @ p["W1"] + p["b1"]
    h = jax.nn.relu(_bn(h, p["g1"], p["be1"]))
    return h @ p["W2"] + p["b2"]


def _forward(x, params, edge_index, batch):
    # virtual node embedding lookup for index 0, one per graph
    vfeat = jnp.broadcast_to(params["vemb"][0], (B, D))
    post = _gin_conv(x, edge_index, params["conv1"])
    post = jax.nn.relu(_bn(post, params["bn1"]["g"], params["bn1"]["b"]))  # dropout = identity (eval)
    n_inner = len(params["convs"])
    for i in range(n_inner):
        post = post + vfeat[batch]
        post = _gin_conv(post, edge_index, params["convs"][i])
        post = _bn(post, params["bns"][i]["g"], params["bns"][i]["b"])
        if i < n_inner - 1:
            post = jax.nn.relu(post)
            pooled = jax.ops.segment_sum(post, batch, num_segments=B)  # GlobalAddPool
            vm = params["vmlp"]
            h = pooled + vfeat
            h = jax.nn.relu(_bn(h @ vm["Wa"] + vm["ba"], vm["ga"], vm["bea"]))
            h = jax.nn.relu(_bn(h @ vm["Wb"] + vm["bb"], vm["gb"], vm["beb"]))
            vfeat = h
    # readout: global mean pool
    sums = jax.ops.segment_sum(post, batch, num_segments=B)
    counts = jax.ops.segment_sum(jnp.ones((post.shape[0],), jnp.float32), batch, num_segments=B)
    readout = sums / jnp.maximum(counts, 1.0)[:, None]
    return readout @ params["cls"]["Wc"] + params["cls"]["bc"]


def reference(x, params, edge_index, batch):
    return _forward(x, params, edge_index, batch)

if __name__ == "__main__":
    import jax
    _d = setup_inputs()
    print(jax.jit(kernel)(*tuple(_d.values())))

</pallas_src>

<mosaic_0001>
#map = affine_map<(d0, d1) -> (0, 0)>
#map1 = affine_map<(d0, d1) -> (0)>
module attributes {stable_mosaic.version = 14 : i64} {
  func.func @sc_agg(%arg0: i32, %arg1: i32, %arg2: memref<10240x128xf32, #tpu.memory_space<hbm>>, %arg3: memref<327680xi32, #tpu.memory_space<hbm>>, %arg4: memref<327680xi32, #tpu.memory_space<hbm>>, %arg5: memref<20480x128xf32, #tpu.memory_space<hbm>>, %arg6: memref<10240xi32, #tpu.memory_space<vmem>>, %arg7: memref<128xi32, #tpu.memory_space<vmem>>, %arg8: memref<128xi32, #tpu.memory_space<vmem>>, %arg9: memref<128x128xf32, #tpu.memory_space<vmem>>, %arg10: memref<128x128xf32, #tpu.memory_space<vmem>>, %arg11: memref<10240x128xf32, #tpu.memory_space<vmem_shared>>, %arg12: memref<!tpu.dma_semaphore, #tpu.memory_space<semaphore_mem>>, %arg13: memref<!tpu.dma_semaphore, #tpu.memory_space<semaphore_mem>>, %arg14: memref<!tpu.dma_semaphore, #tpu.memory_space<semaphore_mem>>, %arg15: memref<!tpu.dma_semaphore, #tpu.memory_space<semaphore_mem>>) attributes {dimension_semantics = [#tpu.dimension_semantics<core_parallel>, #tpu.dimension_semantics<subcore_parallel>], iteration_bounds = array<i64: 2, 16>, scalar_prefetch = 0 : i64, scratch_operands = 10 : i64, tpu.core_type = #tpu.core_type<sc_vector_subcore>, window_params = [{transform_indices = #map}, {transform_indices = #map1}, {transform_indices = #map1}, {transform_indices = #map}]} {
    %mul3A = arith.constant 2 : i32
    %mul3A_0 = arith.muli %arg1, %mul3A : i32
    %add3A = arith.addi %mul3A_0, %arg0 : i32
    %mul3A_1 = arith.constant 10240 : i32
    %mul3A_2 = arith.muli %add3A, %mul3A_1 : i32
    %mul3A_3 = arith.constant 640 : i32
    %mul3A_4 = arith.muli %arg1, %mul3A_3 : i32
    %mul3A_5 = arith.constant 640 : i32
    %mul3A_6 = arith.muli %arg1, %mul3A_5 : i32
    "tpu.region"() ({
      %run_scoped3A = tpu.sem_alloc : memref<!tpu.dma_semaphore, #tpu.memory_space<semaphore_mem>>
      %dma_start3A_54 = arith.constant 0 : i32
      %dma_start3A_55 = tpu.memref_slice %arg11[%mul3A_6, %dma_start3A_54] : memref<10240x128xf32, #tpu.memory_space<vmem_shared>> -> memref<640x128xf32, #tpu.memory_space<vmem_shared>>
      %dma_start3A_56 = arith.constant 0 : i32
      %dma_start3A_57 = tpu.memref_slice %arg2[%mul3A_4, %dma_start3A_56] : memref<10240x128xf32, #tpu.memory_space<hbm>> -> memref<640x128xf32, #tpu.memory_space<hbm>>
      tpu.enqueue_dma source(%dma_start3A_57 : memref<640x128xf32, #tpu.memory_space<hbm>>) target(%dma_start3A_55 : memref<640x128xf32, #tpu.memory_space<vmem_shared>>) target_semaphore(%run_scoped3A : memref<!tpu.dma_semaphore, #tpu.memory_space<semaphore_mem>>)
      %dma_wait3A_58 = arith.constant 0 : i32
      %dma_wait3A_59 = tpu.memref_slice %arg11[%mul3A_6, %dma_wait3A_58] : memref<10240x128xf32, #tpu.memory_space<vmem_shared>> -> memref<640x128xf32, #tpu.memory_space<vmem_shared>>
      %dma_wait3A_60 = arith.constant 0 : i32
      %dma_wait3A_61 = tpu.memref_slice %arg2[%mul3A_4, %dma_wait3A_60] : memref<10240x128xf32, #tpu.memory_space<hbm>> -> memref<640x128xf32, #tpu.memory_space<hbm>>
      tpu.wait_dma2 semaphore(%run_scoped3A : memref<!tpu.dma_semaphore, #tpu.memory_space<semaphore_mem>>) src(%dma_wait3A_61 : memref<640x128xf32, #tpu.memory_space<hbm>>) dst(%dma_wait3A_59 : memref<640x128xf32, #tpu.memory_space<vmem_shared>>)
      tpu.yield
    }) : () -> ()
    "tpu.region"() ({
      %run_scoped3A = tpu.sem_alloc : memref<!tpu.dma_semaphore, #tpu.memory_space<semaphore_mem>>
      %dma_start3A_54 = tpu.memref_slice %arg3[%mul3A_2] : memref<327680xi32, #tpu.memory_space<hbm>> -> memref<10240xi32, #tpu.memory_space<hbm>>
      %dma_start3A_55 = tpu.memref_slice %arg3[%mul3A_2] : memref<327680xi32, #tpu.memory_space<hbm>> -> memref<10240xi32, #tpu.memory_space<hbm>>
      tpu.enqueue_dma source(%dma_start3A_55 : memref<10240xi32, #tpu.memory_space<hbm>>) target(%arg6 : memref<10240xi32, #tpu.memory_space<vmem>>) target_semaphore(%run_scoped3A : memref<!tpu.dma_semaphore, #tpu.memory_space<semaphore_mem>>)
      %dma_wait3A_56 = tpu.memref_slice %arg3[%mul3A_2] : memref<327680xi32, #tpu.memory_space<hbm>> -> memref<10240xi32, #tpu.memory_space<hbm>>
      %dma_wait3A_57 = tpu.memref_slice %arg3[%mul3A_2] : memref<327680xi32, #tpu.memory_space<hbm>> -> memref<10240xi32, #tpu.memory_space<hbm>>
      tpu.wait_dma2 semaphore(%run_scoped3A : memref<!tpu.dma_semaphore, #tpu.memory_space<semaphore_mem>>) src(%dma_wait3A_57 : memref<10240xi32, #tpu.memory_space<hbm>>) dst(%arg6 : memref<10240xi32, #tpu.memory_space<vmem>>)
      tpu.yield
    }) : () -> ()
    %barrier3A = arith.constant 0 : index
    tpu.barrier barrier_id(%barrier3A)
    %add3A_7 = arith.constant 0 : i32
    %add3A_8 = arith.addi %mul3A_2, %add3A_7 : i32
    %dma_start3A = tpu.memref_slice %arg4[%add3A_8] : memref<327680xi32, #tpu.memory_space<hbm>> -> memref<128xi32, #tpu.memory_space<hbm>>
    %dma_start3A_9 = tpu.memref_slice %arg4[%add3A_8] : memref<327680xi32, #tpu.memory_space<hbm>> -> memref<128xi32, #tpu.memory_space<hbm>>
    tpu.enqueue_dma source(%dma_start3A_9 : memref<128xi32, #tpu.memory_space<hbm>>) target(%arg7 : memref<128xi32, #tpu.memory_space<vmem>>) target_semaphore(%arg14 : memref<!tpu.dma_semaphore, #tpu.memory_space<semaphore_mem>>)
    %dma_start3A_10 = arith.constant 0 : i32
    %dma_start3A_11 = tpu.memref_slice %arg6[%dma_start3A_10] : memref<10240xi32, #tpu.memory_space<vmem>> -> memref<128xi32, #tpu.memory_space<vmem>>
    %dma_start3A_12 = arith.constant 0 : i32
    %dma_start3A_13 = arith.constant 0 : i32
    %dma_start3A_14 = tpu.memref_slice %arg2[%dma_start3A_12, %dma_start3A_13] : memref<10240x128xf32, #tpu.memory_space<hbm>> -> memref<10240x128xf32, #tpu.memory_space<hbm>>
    tpu.enqueue_indirect_dma source(%dma_start3A_14 : memref<10240x128xf32, #tpu.memory_space<hbm>>) target(%arg9 : memref<128x128xf32, #tpu.memory_space<vmem>>) offsets(%dma_start3A_11 : memref<128xi32, #tpu.memory_space<vmem>>) semaphore(%arg12 : memref<!tpu.dma_semaphore, #tpu.memory_space<semaphore_mem>>)
    %add3A_15 = arith.constant 128 : i32
    %add3A_16 = arith.addi %mul3A_2, %add3A_15 : i32
    %dma_start3A_17 = tpu.memref_slice %arg4[%add3A_16] : memref<327680xi32, #tpu.memory_space<hbm>> -> memref<128xi32, #tpu.memory_space<hbm>>
    %dma_start3A_18 = tpu.memref_slice %arg4[%add3A_16] : memref<327680xi32, #tpu.memory_space<hbm>> -> memref<128xi32, #tpu.memory_space<hbm>>
    tpu.enqueue_dma source(%dma_start3A_18 : memref<128xi32, #tpu.memory_space<hbm>>) target(%arg8 : memref<128xi32, #tpu.memory_space<vmem>>) target_semaphore(%arg15 : memref<!tpu.dma_semaphore, #tpu.memory_space<semaphore_mem>>)
    %dma_start3A_19 = arith.constant 128 : i32
    %dma_start3A_20 = tpu.memref_slice %arg6[%dma_start3A_19] : memref<10240xi32, #tpu.memory_space<vmem>> -> memref<128xi32, #tpu.memory_space<vmem>>
    %dma_start3A_21 = arith.constant 0 : i32
    %dma_start3A_22 = arith.constant 0 : i32
    %dma_start3A_23 = tpu.memref_slice %arg2[%dma_start3A_21, %dma_start3A_22] : memref<10240x128xf32, #tpu.memory_space<hbm>> -> memref<10240x128xf32, #tpu.memory_space<hbm>>
    tpu.enqueue_indirect_dma source(%dma_start3A_23 : memref<10240x128xf32, #tpu.memory_space<hbm>>) target(%arg10 : memref<128x128xf32, #tpu.memory_space<vmem>>) offsets(%dma_start3A_20 : memref<128xi32, #tpu.memory_space<vmem>>) semaphore(%arg13 : memref<!tpu.dma_semaphore, #tpu.memory_space<semaphore_mem>>)
    %scan3A = arith.constant 0 : i32
    %scan3A_24 = arith.constant 0 : i32
    %scan3A_25 = arith.constant 39 : i32
    %scan3A_26 = arith.addi %scan3A_24, %scan3A_25 : i32
    %scan3A_27 = arith.constant 1 : i32
    scf.for %scan3A_54 = %scan3A_24 to %scan3A_26 step %scan3A_27  : i32 {
      %mul3A_55 = arith.constant 2 : i32
      %mul3A_56 = arith.muli %mul3A_55, %scan3A_54 : i32
      %mul3A_57 = arith.constant 128 : i32
      %mul3A_58 = arith.muli %mul3A_56, %mul3A_57 : i32
      %dma_wait3A_59 = tpu.memref_slice %arg6[%mul3A_58] : memref<10240xi32, #tpu.memory_space<vmem>> -> memref<128xi32, #tpu.memory_space<vmem>>
      %dma_wait3A_60 = arith.constant 0 : i32
      %dma_wait3A_61 = arith.constant 0 : i32
      %dma_wait3A_62 = tpu.memref_slice %arg2[%dma_wait3A_60, %dma_wait3A_61] : memref<10240x128xf32, #tpu.memory_space<hbm>> -> memref<10240x128xf32, #tpu.memory_space<hbm>>
      tpu.wait_indirect_dma semaphore(%arg12 : memref<!tpu.dma_semaphore, #tpu.memory_space<semaphore_mem>>) src(%dma_wait3A_62 : memref<10240x128xf32, #tpu.memory_space<hbm>>) dst(%arg9 : memref<128x128xf32, #tpu.memory_space<vmem>>)
      %dma_wait3A_63 = arith.constant 0 : i32
      %dma_wait3A_64 = tpu.memref_slice %arg4[%dma_wait3A_63] : memref<327680xi32, #tpu.memory_space<hbm>> -> memref<128xi32, #tpu.memory_space<hbm>>
      %dma_wait3A_65 = arith.constant 0 : i32
      %dma_wait3A_66 = tpu.memref_slice %arg4[%dma_wait3A_65] : memref<327680xi32, #tpu.memory_space<hbm>> -> memref<128xi32, #tpu.memory_space<hbm>>
      tpu.wait_dma2 semaphore(%arg14 : memref<!tpu.dma_semaphore, #tpu.memory_space<semaphore_mem>>) src(%dma_wait3A_66 : memref<128xi32, #tpu.memory_space<hbm>>) dst(%arg7 : memref<128xi32, #tpu.memory_space<vmem>>)
      "tpu.region"() ({
        %run_scoped3A = tpu.sem_alloc : memref<!tpu.dma_semaphore, #tpu.memory_space<semaphore_mem>>
        %dma_start3A_105 = arith.constant 0 : i32
        %dma_start3A_106 = arith.constant 0 : i32
        %dma_start3A_107 = tpu.memref_slice %arg11[%dma_start3A_105, %dma_start3A_106] : memref<10240x128xf32, #tpu.memory_space<vmem_shared>> -> memref<10240x128xf32, #tpu.memory_space<vmem_shared>>
        tpu.enqueue_indirect_dma source(%arg9 : memref<128x128xf32, #tpu.memory_space<vmem>>) target(%dma_start3A_107 : memref<10240x128xf32, #tpu.memory_space<vmem_shared>>) offsets(%arg7 : memref<128xi32, #tpu.memory_space<vmem>>) semaphore(%run_scoped3A : memref<!tpu.dma_semaphore, #tpu.memory_space<semaphore_mem>>) {add = true}
        %dma_wait3A_108 = arith.constant 0 : i32
        %dma_wait3A_109 = arith.constant 0 : i32
        %dma_wait3A_110 = tpu.memref_slice %arg11[%dma_wait3A_108, %dma_wait3A_109] : memref<10240x128xf32, #tpu.memory_space<vmem_shared>> -> memref<10240x128xf32, #tpu.memory_space<vmem_shared>>
        tpu.wait_indirect_dma semaphore(%run_scoped3A : memref<!tpu.dma_semaphore, #tpu.memory_space<semaphore_mem>>) src(%arg9 : memref<128x128xf32, #tpu.memory_space<vmem>>) dst(%dma_wait3A_110 : memref<10240x128xf32, #tpu.memory_space<vmem_shared>>)
        tpu.yield
      }) : () -> ()
      %add3A_67 = arith.constant 2 : i32
      %add3A_68 = arith.addi %mul3A_56, %add3A_67 : i32
      %mul3A_69 = arith.constant 128 : i32
      %mul3A_70 = arith.muli %add3A_68, %mul3A_69 : i32
      %add3A_71 = arith.addi %mul3A_2, %mul3A_70 : i32
      %dma_start3A_72 = tpu.memref_slice %arg4[%add3A_71] : memref<327680xi32, #tpu.memory_space<hbm>> -> memref<128xi32, #tpu.memory_space<hbm>>
      %dma_start3A_73 = tpu.memref_slice %arg4[%add3A_71] : memref<327680xi32, #tpu.memory_space<hbm>> -> memref<128xi32, #tpu.memory_space<hbm>>
      tpu.enqueue_dma source(%dma_start3A_73 : memref<128xi32, #tpu.memory_space<hbm>>) target(%arg7 : memref<128xi32, #tpu.memory_space<vmem>>) target_semaphore(%arg14 : memref<!tpu.dma_semaphore, #tpu.memory_space<semaphore_mem>>)
      %mul3A_74 = arith.constant 128 : i32
      %mul3A_75 = arith.muli %add3A_68, %mul3A_74 : i32
      %dma_start3A_76 = tpu.memref_slice %arg6[%mul3A_75] : memref<10240xi32, #tpu.memory_space<vmem>> -> memref<128xi32, #tpu.memory_space<vmem>>
      %dma_start3A_77 = arith.constant 0 : i32
      %dma_start3A_78 = arith.constant 0 : i32
      %dma_start3A_79 = tpu.memref_slice %arg2[%dma_start3A_77, %dma_start3A_78] : memref<10240x128xf32, #tpu.memory_space<hbm>> -> memref<10240x128xf32, #tpu.memory_space<hbm>>
      tpu.enqueue_indirect_dma source(%dma_start3A_79 : memref<10240x128xf32, #tpu.memory_space<hbm>>) target(%arg9 : memref<128x128xf32, #tpu.memory_space<vmem>>) offsets(%dma_start3A_76 : memref<128xi32, #tpu.memory_space<vmem>>) semaphore(%arg12 : memref<!tpu.dma_semaphore, #tpu.memory_space<semaphore_mem>>)
      %add3A_80 = arith.constant 1 : i32
      %add3A_81 = arith.addi %mul3A_56, %add3A_80 : i32
      %mul3A_82 = arith.constant 128 : i32
      %mul3A_83 = arith.muli %add3A_81, %mul3A_82 : i32
      %dma_wait3A_84 = tpu.memref_slice %arg6[%mul3A_83] : memref<10240xi32, #tpu.memory_space<vmem>> -> memref<128xi32, #tpu.memory_space<vmem>>
      %dma_wait3A_85 = arith.constant 0 : i32
      %dma_wait3A_86 = arith.constant 0 : i32
      %dma_wait3A_87 = tpu.memref_slice %arg2[%dma_wait3A_85, %dma_wait3A_86] : memref<10240x128xf32, #tpu.memory_space<hbm>> -> memref<10240x128xf32, #tpu.memory_space<hbm>>
      tpu.wait_indirect_dma semaphore(%arg13 : memref<!tpu.dma_semaphore, #tpu.memory_space<semaphore_mem>>) src(%dma_wait3A_87 : memref<10240x128xf32, #tpu.memory_space<hbm>>) dst(%arg10 : memref<128x128xf32, #tpu.memory_space<vmem>>)
      %dma_wait3A_88 = arith.constant 0 : i32
      %dma_wait3A_89 = tpu.memref_slice %arg4[%dma_wait3A_88] : memref<327680xi32, #tpu.memory_space<hbm>> -> memref<128xi32, #tpu.memory_space<hbm>>
      %dma_wait3A_90 = arith.constant 0 : i32
      %dma_wait3A_91 = tpu.memref_slice %arg4[%dma_wait3A_90] : memref<327680xi32, #tpu.memory_space<hbm>> -> memref<128xi32, #tpu.memory_space<hbm>>
      tpu.wait_dma2 semaphore(%arg15 : memref<!tpu.dma_semaphore, #tpu.memory_space<semaphore_mem>>) src(%dma_wait3A_91 : memref<128xi32, #tpu.memory_space<hbm>>) dst(%arg8 : memref<128xi32, #tpu.memory_space<vmem>>)
      "tpu.region"() ({
        %run_scoped3A = tpu.sem_alloc : memref<!tpu.dma_semaphore, #tpu.memory_space<semaphore_mem>>
        %dma_start3A_105 = arith.constant 0 : i32
        %dma_start3A_106 = arith.constant 0 : i32
        %dma_start3A_107 = tpu.memref_slice %arg11[%dma_start3A_105, %dma_start3A_106] : memref<10240x128xf32, #tpu.memory_space<vmem_shared>> -> memref<10240x128xf32, #tpu.memory_space<vmem_shared>>
        tpu.enqueue_indirect_dma source(%arg10 : memref<128x128xf32, #tpu.memory_space<vmem>>) target(%dma_start3A_107 : memref<10240x128xf32, #tpu.memory_space<vmem_shared>>) offsets(%arg8 : memref<128xi32, #tpu.memory_space<vmem>>) semaphore(%run_scoped3A : memref<!tpu.dma_semaphore, #tpu.memory_space<semaphore_mem>>) {add = true}
        %dma_wait3A_108 = arith.constant 0 : i32
        %dma_wait3A_109 = arith.constant 0 : i32
        %dma_wait3A_110 = tpu.memref_slice %arg11[%dma_wait3A_108, %dma_wait3A_109] : memref<10240x128xf32, #tpu.memory_space<vmem_shared>> -> memref<10240x128xf32, #tpu.memory_space<vmem_shared>>
        tpu.wait_indirect_dma semaphore(%run_scoped3A : memref<!tpu.dma_semaphore, #tpu.memory_space<semaphore_mem>>) src(%arg10 : memref<128x128xf32, #tpu.memory_space<vmem>>) dst(%dma_wait3A_110 : memref<10240x128xf32, #tpu.memory_space<vmem_shared>>)
        tpu.yield
      }) : () -> ()
      %add3A_92 = arith.constant 2 : i32
      %add3A_93 = arith.addi %add3A_81, %add3A_92 : i32
      %mul3A_94 = arith.constant 128 : i32
      %mul3A_95 = arith.muli %add3A_93, %mul3A_94 : i32
      %add3A_96 = arith.addi %mul3A_2, %mul3A_95 : i32
      %dma_start3A_97 = tpu.memref_slice %arg4[%add3A_96] : memref<327680xi32, #tpu.memory_space<hbm>> -> memref<128xi32, #tpu.memory_space<hbm>>
      %dma_start3A_98 = tpu.memref_slice %arg4[%add3A_96] : memref<327680xi32, #tpu.memory_space<hbm>> -> memref<128xi32, #tpu.memory_space<hbm>>
      tpu.enqueue_dma source(%dma_start3A_98 : memref<128xi32, #tpu.memory_space<hbm>>) target(%arg8 : memref<128xi32, #tpu.memory_space<vmem>>) target_semaphore(%arg15 : memref<!tpu.dma_semaphore, #tpu.memory_space<semaphore_mem>>)
      %mul3A_99 = arith.constant 128 : i32
      %mul3A_100 = arith.muli %add3A_93, %mul3A_99 : i32
      %dma_start3A_101 = tpu.memref_slice %arg6[%mul3A_100] : memref<10240xi32, #tpu.memory_space<vmem>> -> memref<128xi32, #tpu.memory_space<vmem>>
      %dma_start3A_102 = arith.constant 0 : i32
      %dma_start3A_103 = arith.constant 0 : i32
      %dma_start3A_104 = tpu.memref_slice %arg2[%dma_start3A_102, %dma_start3A_103] : memref<10240x128xf32, #tpu.memory_space<hbm>> -> memref<10240x128xf32, #tpu.memory_space<hbm>>
      tpu.enqueue_indirect_dma source(%dma_start3A_104 : memref<10240x128xf32, #tpu.memory_space<hbm>>) target(%arg10 : memref<128x128xf32, #tpu.memory_space<vmem>>) offsets(%dma_start3A_101 : memref<128xi32, #tpu.memory_space<vmem>>) semaphore(%arg13 : memref<!tpu.dma_semaphore, #tpu.memory_space<semaphore_mem>>)
    }
    %scan3A_28 = arith.constant 39 : i32
    %dma_wait3A = arith.constant 9984 : i32
    %dma_wait3A_29 = tpu.memref_slice %arg6[%dma_wait3A] : memref<10240xi32, #tpu.memory_space<vmem>> -> memref<128xi32, #tpu.memory_space<vmem>>
    %dma_wait3A_30 = arith.constant 0 : i32
    %dma_wait3A_31 = arith.constant 0 : i32
    %dma_wait3A_32 = tpu.memref_slice %arg2[%dma_wait3A_30, %dma_wait3A_31] : memref<10240x128xf32, #tpu.memory_space<hbm>> -> memref<10240x128xf32, #tpu.memory_space<hbm>>
    tpu.wait_indirect_dma semaphore(%arg12 : memref<!tpu.dma_semaphore, #tpu.memory_space<semaphore_mem>>) src(%dma_wait3A_32 : memref<10240x128xf32, #tpu.memory_space<hbm>>) dst(%arg9 : memref<128x128xf32, #tpu.memory_space<vmem>>)
    %dma_wait3A_33 = arith.constant 0 : i32
    %dma_wait3A_34 = tpu.memref_slice %arg4[%dma_wait3A_33] : memref<327680xi32, #tpu.memory_space<hbm>> -> memref<128xi32, #tpu.memory_space<hbm>>
    %dma_wait3A_35 = arith.constant 0 : i32
    %dma_wait3A_36 = tpu.memref_slice %arg4[%dma_wait3A_35] : memref<327680xi32, #tpu.memory_space<hbm>> -> memref<128xi32, #tpu.memory_space<hbm>>
    tpu.wait_dma2 semaphore(%arg14 : memref<!tpu.dma_semaphore, #tpu.memory_space<semaphore_mem>>) src(%dma_wait3A_36 : memref<128xi32, #tpu.memory_space<hbm>>) dst(%arg7 : memref<128xi32, #tpu.memory_space<vmem>>)
    "tpu.region"() ({
      %run_scoped3A = tpu.sem_alloc : memref<!tpu.dma_semaphore, #tpu.memory_space<semaphore_mem>>
      %dma_start3A_54 = arith.constant 0 : i32
      %dma_start3A_55 = arith.constant 0 : i32
      %dma_start3A_56 = tpu.memref_slice %arg11[%dma_start3A_54, %dma_start3A_55] : memref<10240x128xf32, #tpu.memory_space<vmem_shared>> -> memref<10240x128xf32, #tpu.memory_space<vmem_shared>>
      tpu.enqueue_indirect_dma source(%arg9 : memref<128x128xf32, #tpu.memory_space<vmem>>) target(%dma_start3A_56 : memref<10240x128xf32, #tpu.memory_space<vmem_shared>>) offsets(%arg7 : memref<128xi32, #tpu.memory_space<vmem>>) semaphore(%run_scoped3A : memref<!tpu.dma_semaphore, #tpu.memory_space<semaphore_mem>>) {add = true}
      %dma_wait3A_57 = arith.constant 0 : i32
      %dma_wait3A_58 = arith.constant 0 : i32
      %dma_wait3A_59 = tpu.memref_slice %arg11[%dma_wait3A_57, %dma_wait3A_58] : memref<10240x128xf32, #tpu.memory_space<vmem_shared>> -> memref<10240x128xf32, #tpu.memory_space<vmem_shared>>
      tpu.wait_indirect_dma semaphore(%run_scoped3A : memref<!tpu.dma_semaphore, #tpu.memory_space<semaphore_mem>>) src(%arg9 : memref<128x128xf32, #tpu.memory_space<vmem>>) dst(%dma_wait3A_59 : memref<10240x128xf32, #tpu.memory_space<vmem_shared>>)
      tpu.yield
    }) : () -> ()
    %dma_wait3A_37 = arith.constant 10112 : i32
    %dma_wait3A_38 = tpu.memref_slice %arg6[%dma_wait3A_37] : memref<10240xi32, #tpu.memory_space<vmem>> -> memref<128xi32, #tpu.memory_space<vmem>>
    %dma_wait3A_39 = arith.constant 0 : i32
    %dma_wait3A_40 = arith.constant 0 : i32
    %dma_wait3A_41 = tpu.memref_slice %arg2[%dma_wait3A_39, %dma_wait3A_40] : memref<10240x128xf32, #tpu.memory_space<hbm>> -> memref<10240x128xf32, #tpu.memory_space<hbm>>
    tpu.wait_indirect_dma semaphore(%arg13 : memref<!tpu.dma_semaphore, #tpu.memory_space<semaphore_mem>>) src(%dma_wait3A_41 : memref<10240x128xf32, #tpu.memory_space<hbm>>) dst(%arg10 : memref<128x128xf32, #tpu.memory_space<vmem>>)
    %dma_wait3A_42 = arith.constant 0 : i32
    %dma_wait3A_43 = tpu.memref_slice %arg4[%dma_wait3A_42] : memref<327680xi32, #tpu.memory_space<hbm>> -> memref<128xi32, #tpu.memory_space<hbm>>
    %dma_wait3A_44 = arith.constant 0 : i32
    %dma_wait3A_45 = tpu.memref_slice %arg4[%dma_wait3A_44] : memref<327680xi32, #tpu.memory_space<hbm>> -> memref<128xi32, #tpu.memory_space<hbm>>
    tpu.wait_dma2 semaphore(%arg15 : memref<!tpu.dma_semaphore, #tpu.memory_space<semaphore_mem>>) src(%dma_wait3A_45 : memref<128xi32, #tpu.memory_space<hbm>>) dst(%arg8 : memref<128xi32, #tpu.memory_space<vmem>>)
    "tpu.region"() ({
      %run_scoped3A = tpu.sem_alloc : memref<!tpu.dma_semaphore, #tpu.memory_space<semaphore_mem>>
      %dma_start3A_54 = arith.constant 0 : i32
      %dma_start3A_55 = arith.constant 0 : i32
      %dma_start3A_56 = tpu.memref_slice %arg11[%dma_start3A_54, %dma_start3A_55] : memref<10240x128xf32, #tpu.memory_space<vmem_shared>> -> memref<10240x128xf32, #tpu.memory_space<vmem_shared>>
      tpu.enqueue_indirect_dma source(%arg10 : memref<128x128xf32, #tpu.memory_space<vmem>>) target(%dma_start3A_56 : memref<10240x128xf32, #tpu.memory_space<vmem_shared>>) offsets(%arg8 : memref<128xi32, #tpu.memory_space<vmem>>) semaphore(%run_scoped3A : memref<!tpu.dma_semaphore, #tpu.memory_space<semaphore_mem>>) {add = true}
      %dma_wait3A_57 = arith.constant 0 : i32
      %dma_wait3A_58 = arith.constant 0 : i32
      %dma_wait3A_59 = tpu.memref_slice %arg11[%dma_wait3A_57, %dma_wait3A_58] : memref<10240x128xf32, #tpu.memory_space<vmem_shared>> -> memref<10240x128xf32, #tpu.memory_space<vmem_shared>>
      tpu.wait_indirect_dma semaphore(%run_scoped3A : memref<!tpu.dma_semaphore, #tpu.memory_space<semaphore_mem>>) src(%arg10 : memref<128x128xf32, #tpu.memory_space<vmem>>) dst(%dma_wait3A_59 : memref<10240x128xf32, #tpu.memory_space<vmem_shared>>)
      tpu.yield
    }) : () -> ()
    %barrier3A_46 = arith.constant 0 : index
    tpu.barrier barrier_id(%barrier3A_46)
    %mul3A_47 = arith.constant 640 : i32
    %mul3A_48 = arith.muli %arg1, %mul3A_47 : i32
    %mul3A_49 = arith.constant 10240 : i32
    %mul3A_50 = arith.muli %arg0, %mul3A_49 : i32
    %mul3A_51 = arith.constant 640 : i32
    %mul3A_52 = arith.muli %arg1, %mul3A_51 : i32
    %add3A_53 = arith.addi %mul3A_50, %mul3A_52 : i32
    "tpu.region"() ({
      %run_scoped3A = tpu.sem_alloc : memref<!tpu.dma_semaphore, #tpu.memory_space<semaphore_mem>>
      %dma_start3A_54 = arith.constant 0 : i32
      %dma_start3A_55 = tpu.memref_slice %arg5[%add3A_53, %dma_start3A_54] : memref<20480x128xf32, #tpu.memory_space<hbm>> -> memref<640x128xf32, #tpu.memory_space<hbm>>
      %dma_start3A_56 = arith.constant 0 : i32
      %dma_start3A_57 = tpu.memref_slice %arg11[%mul3A_48, %dma_start3A_56] : memref<10240x128xf32, #tpu.memory_space<vmem_shared>> -> memref<640x128xf32, #tpu.memory_space<vmem_shared>>
      tpu.enqueue_dma source(%dma_start3A_57 : memref<640x128xf32, #tpu.memory_space<vmem_shared>>) target(%dma_start3A_55 : memref<640x128xf32, #tpu.memory_space<hbm>>) target_semaphore(%run_scoped3A : memref<!tpu.dma_semaphore, #tpu.memory_space<semaphore_mem>>)
      %dma_wait3A_58 = arith.constant 0 : i32
      %dma_wait3A_59 = tpu.memref_slice %arg5[%add3A_53, %dma_wait3A_58] : memref<20480x128xf32, #tpu.memory_space<hbm>> -> memref<640x128xf32, #tpu.memory_space<hbm>>
      %dma_wait3A_60 = arith.constant 0 : i32
      %dma_wait3A_61 = tpu.memref_slice %arg11[%mul3A_48, %dma_wait3A_60] : memref<10240x128xf32, #tpu.memory_space<vmem_shared>> -> memref<640x128xf32, #tpu.memory_space<vmem_shared>>
      tpu.wait_dma2 semaphore(%run_scoped3A : memref<!tpu.dma_semaphore, #tpu.memory_space<semaphore_mem>>) src(%dma_wait3A_61 : memref<640x128xf32, #tpu.memory_space<vmem_shared>>) dst(%dma_wait3A_59 : memref<640x128xf32, #tpu.memory_space<hbm>>)
      tpu.yield
    }) : () -> ()
    return
  }
}

#map = affine_map<(d0, d1) -> (0, 0)>
#map1 = affine_map<(d0, d1) -> (0)>
module attributes {stable_mosaic.version = 14 : i64} {
  func.func @sc_agg(%arg0: i32, %arg1: i32, %arg2: memref<10240x128xf32, #tpu.memory_space<hbm>>, %arg3: memref<327680xi32, #tpu.memory_space<hbm>>, %arg4: memref<327680xi32, #tpu.memory_space<hbm>>, %arg5: memref<20480x128xf32, #tpu.memory_space<hbm>>, %arg6: memref<10240xi32, #tpu.memory_space<vmem>>, %arg7: memref<128xi32, #tpu.memory_space<vmem>>, %arg8: memref<128xi32, #tpu.memory_space<vmem>>, %arg9: memref<128x128xf32, #tpu.memory_space<vmem>>, %arg10: memref<128x128xf32, #tpu.memory_space<vmem>>, %arg11: memref<10240x128xf32, #tpu.memory_space<vmem_shared>>, %arg12: memref<!tpu.dma_semaphore, #tpu.memory_space<semaphore_mem>>, %arg13: memref<!tpu.dma_semaphore, #tpu.memory_space<semaphore_mem>>, %arg14: memref<!tpu.dma_semaphore, #tpu.memory_space<semaphore_mem>>, %arg15: memref<!tpu.dma_semaphore, #tpu.memory_space<semaphore_mem>>) attributes {dimension_semantics = [#tpu.dimension_semantics<core_parallel>, #tpu.dimension_semantics<subcore_parallel>], iteration_bounds = array<i64: 2, 16>, scalar_prefetch = 0 : i64, scratch_operands = 10 : i64, tpu.core_type = #tpu.core_type<sc_vector_subcore>, window_params = [{transform_indices = #map}, {transform_indices = #map1}, {transform_indices = #map1}, {transform_indices = #map}]} {
    %mul3A = arith.constant 2 : i32
    %mul3A_0 = arith.muli %arg1, %mul3A : i32
    %add3A = arith.addi %mul3A_0, %arg0 : i32
    %mul3A_1 = arith.constant 10240 : i32
    %mul3A_2 = arith.muli %add3A, %mul3A_1 : i32
    %mul3A_3 = arith.constant 640 : i32
    %mul3A_4 = arith.muli %arg1, %mul3A_3 : i32
    %mul3A_5 = arith.constant 640 : i32
    %mul3A_6 = arith.muli %arg1, %mul3A_5 : i32
    "tpu.region"() ({
      %run_scoped3A = tpu.sem_alloc : memref<!tpu.dma_semaphore, #tpu.memory_space<semaphore_mem>>
      %dma_start3A_54 = arith.constant 0 : i32
      %dma_start3A_55 = tpu.memref_slice %arg11[%mul3A_6, %dma_start3A_54] : memref<10240x128xf32, #tpu.memory_space<vmem_shared>> -> memref<640x128xf32, #tpu.memory_space<vmem_shared>>
      %dma_start3A_56 = arith.constant 0 : i32
      %dma_start3A_57 = tpu.memref_slice %arg2[%mul3A_4, %dma_start3A_56] : memref<10240x128xf32, #tpu.memory_space<hbm>> -> memref<640x128xf32, #tpu.memory_space<hbm>>
      tpu.enqueue_dma source(%dma_start3A_57 : memref<640x128xf32, #tpu.memory_space<hbm>>) target(%dma_start3A_55 : memref<640x128xf32, #tpu.memory_space<vmem_shared>>) target_semaphore(%run_scoped3A : memref<!tpu.dma_semaphore, #tpu.memory_space<semaphore_mem>>)
      %dma_wait3A_58 = arith.constant 0 : i32
      %dma_wait3A_59 = tpu.memref_slice %arg11[%mul3A_6, %dma_wait3A_58] : memref<10240x128xf32, #tpu.memory_space<vmem_shared>> -> memref<640x128xf32, #tpu.memory_space<vmem_shared>>
      %dma_wait3A_60 = arith.constant 0 : i32
      %dma_wait3A_61 = tpu.memref_slice %arg2[%mul3A_4, %dma_wait3A_60] : memref<10240x128xf32, #tpu.memory_space<hbm>> -> memref<640x128xf32, #tpu.memory_space<hbm>>
      tpu.wait_dma2 semaphore(%run_scoped3A : memref<!tpu.dma_semaphore, #tpu.memory_space<semaphore_mem>>) src(%dma_wait3A_61 : memref<640x128xf32, #tpu.memory_space<hbm>>) dst(%dma_wait3A_59 : memref<640x128xf32, #tpu.memory_space<vmem_shared>>)
      tpu.yield
    }) : () -> ()
    "tpu.region"() ({
      %run_scoped3A = tpu.sem_alloc : memref<!tpu.dma_semaphore, #tpu.memory_space<semaphore_mem>>
      %dma_start3A_54 = tpu.memref_slice %arg3[%mul3A_2] : memref<327680xi32, #tpu.memory_space<hbm>> -> memref<10240xi32, #tpu.memory_space<hbm>>
      %dma_start3A_55 = tpu.memref_slice %arg3[%mul3A_2] : memref<327680xi32, #tpu.memory_space<hbm>> -> memref<10240xi32, #tpu.memory_space<hbm>>
      tpu.enqueue_dma source(%dma_start3A_55 : memref<10240xi32, #tpu.memory_space<hbm>>) target(%arg6 : memref<10240xi32, #tpu.memory_space<vmem>>) target_semaphore(%run_scoped3A : memref<!tpu.dma_semaphore, #tpu.memory_space<semaphore_mem>>)
      %dma_wait3A_56 = tpu.memref_slice %arg3[%mul3A_2] : memref<327680xi32, #tpu.memory_space<hbm>> -> memref<10240xi32, #tpu.memory_space<hbm>>
      %dma_wait3A_57 = tpu.memref_slice %arg3[%mul3A_2] : memref<327680xi32, #tpu.memory_space<hbm>> -> memref<10240xi32, #tpu.memory_space<hbm>>
      tpu.wait_dma2 semaphore(%run_scoped3A : memref<!tpu.dma_semaphore, #tpu.memory_space<semaphore_mem>>) src(%dma_wait3A_57 : memref<10240xi32, #tpu.memory_space<hbm>>) dst(%arg6 : memref<10240xi32, #tpu.memory_space<vmem>>)
      tpu.yield
    }) : () -> ()
    %barrier3A = arith.constant 0 : index
    tpu.barrier barrier_id(%barrier3A)
    %add3A_7 = arith.constant 0 : i32
    %add3A_8 = arith.addi %mul3A_2, %add3A_7 : i32
    %dma_start3A = tpu.memref_slice %arg4[%add3A_8] : memref<327680xi32, #tpu.memory_space<hbm>> -> memref<128xi32, #tpu.memory_space<hbm>>
    %dma_start3A_9 = tpu.memref_slice %arg4[%add3A_8] : memref<327680xi32, #tpu.memory_space<hbm>> -> memref<128xi32, #tpu.memory_space<hbm>>
    tpu.enqueue_dma source(%dma_start3A_9 : memref<128xi32, #tpu.memory_space<hbm>>) target(%arg7 : memref<128xi32, #tpu.memory_space<vmem>>) target_semaphore(%arg14 : memref<!tpu.dma_semaphore, #tpu.memory_space<semaphore_mem>>)
    %dma_start3A_10 = arith.constant 0 : i32
    %dma_start3A_11 = tpu.memref_slice %arg6[%dma_start3A_10] : memref<10240xi32, #tpu.memory_space<vmem>> -> memref<128xi32, #tpu.memory_space<vmem>>
    %dma_start3A_12 = arith.constant 0 : i32
    %dma_start3A_13 = arith.constant 0 : i32
    %dma_start3A_14 = tpu.memref_slice %arg2[%dma_start3A_12, %dma_start3A_13] : memref<10240x128xf32, #tpu.memory_space<hbm>> -> memref<10240x128xf32, #tpu.memory_space<hbm>>
    tpu.enqueue_indirect_dma source(%dma_start3A_14 : memref<10240x128xf32, #tpu.memory_space<hbm>>) target(%arg9 : memref<128x128xf32, #tpu.memory_space<vmem>>) offsets(%dma_start3A_11 : memref<128xi32, #tpu.memory_space<vmem>>) semaphore(%arg12 : memref<!tpu.dma_semaphore, #tpu.memory_space<semaphore_mem>>)
    %add3A_15 = arith.constant 128 : i32
    %add3A_16 = arith.addi %mul3A_2, %add3A_15 : i32
    %dma_start3A_17 = tpu.memref_slice %arg4[%add3A_16] : memref<327680xi32, #tpu.memory_space<hbm>> -> memref<128xi32, #tpu.memory_space<hbm>>
    %dma_start3A_18 = tpu.memref_slice %arg4[%add3A_16] : memref<327680xi32, #tpu.memory_space<hbm>> -> memref<128xi32, #tpu.memory_space<hbm>>
    tpu.enqueue_dma source(%dma_start3A_18 : memref<128xi32, #tpu.memory_space<hbm>>) target(%arg8 : memref<128xi32, #tpu.memory_space<vmem>>) target_semaphore(%arg15 : memref<!tpu.dma_semaphore, #tpu.memory_space<semaphore_mem>>)
    %dma_start3A_19 = arith.constant 128 : i32
    %dma_start3A_20 = tpu.memref_slice %arg6[%dma_start3A_19] : memref<10240xi32, #tpu.memory_space<vmem>> -> memref<128xi32, #tpu.memory_space<vmem>>
    %dma_start3A_21 = arith.constant 0 : i32
    %dma_start3A_22 = arith.constant 0 : i32
    %dma_start3A_23 = tpu.memref_slice %arg2[%dma_start3A_21, %dma_start3A_22] : memref<10240x128xf32, #tpu.memory_space<hbm>> -> memref<10240x128xf32, #tpu.memory_space<hbm>>
    tpu.enqueue_indirect_dma source(%dma_start3A_23 : memref<10240x128xf32, #tpu.memory_space<hbm>>) target(%arg10 : memref<128x128xf32, #tpu.memory_space<vmem>>) offsets(%dma_start3A_20 : memref<128xi32, #tpu.memory_space<vmem>>) semaphore(%arg13 : memref<!tpu.dma_semaphore, #tpu.memory_space<semaphore_mem>>)
    %scan3A = arith.constant 0 : i32
    %scan3A_24 = arith.constant 0 : i32
    %scan3A_25 = arith.constant 39 : i32
    %scan3A_26 = arith.addi %scan3A_24, %scan3A_25 : i32
    %scan3A_27 = arith.constant 1 : i32
    scf.for %scan3A_54 = %scan3A_24 to %scan3A_26 step %scan3A_27  : i32 {
      %mul3A_55 = arith.constant 2 : i32
      %mul3A_56 = arith.muli %mul3A_55, %scan3A_54 : i32
      %mul3A_57 = arith.constant 128 : i32
      %mul3A_58 = arith.muli %mul3A_56, %mul3A_57 : i32
      %dma_wait3A_59 = tpu.memref_slice %arg6[%mul3A_58] : memref<10240xi32, #tpu.memory_space<vmem>> -> memref<128xi32, #tpu.memory_space<vmem>>
      %dma_wait3A_60 = arith.constant 0 : i32
      %dma_wait3A_61 = arith.constant 0 : i32
      %dma_wait3A_62 = tpu.memref_slice %arg2[%dma_wait3A_60, %dma_wait3A_61] : memref<10240x128xf32, #tpu.memory_space<hbm>> -> memref<10240x128xf32, #tpu.memory_space<hbm>>
      tpu.wait_indirect_dma semaphore(%arg12 : memref<!tpu.dma_semaphore, #tpu.memory_space<semaphore_mem>>) src(%dma_wait3A_62 : memref<10240x128xf32, #tpu.memory_space<hbm>>) dst(%arg9 : memref<128x128xf32, #tpu.memory_space<vmem>>)
      %dma_wait3A_63 = arith.constant 0 : i32
      %dma_wait3A_64 = tpu.memref_slice %arg4[%dma_wait3A_63] : memref<327680xi32, #tpu.memory_space<hbm>> -> memref<128xi32, #tpu.memory_space<hbm>>
      %dma_wait3A_65 = arith.constant 0 : i32
      %dma_wait3A_66 = tpu.memref_slice %arg4[%dma_wait3A_65] : memref<327680xi32, #tpu.memory_space<hbm>> -> memref<128xi32, #tpu.memory_space<hbm>>
      tpu.wait_dma2 semaphore(%arg14 : memref<!tpu.dma_semaphore, #tpu.memory_space<semaphore_mem>>) src(%dma_wait3A_66 : memref<128xi32, #tpu.memory_space<hbm>>) dst(%arg7 : memref<128xi32, #tpu.memory_space<vmem>>)
      "tpu.region"() ({
        %run_scoped3A = tpu.sem_alloc : memref<!tpu.dma_semaphore, #tpu.memory_space<semaphore_mem>>
        %dma_start3A_105 = arith.constant 0 : i32
        %dma_start3A_106 = arith.constant 0 : i32
        %dma_start3A_107 = tpu.memref_slice %arg11[%dma_start3A_105, %dma_start3A_106] : memref<10240x128xf32, #tpu.memory_space<vmem_shared>> -> memref<10240x128xf32, #tpu.memory_space<vmem_shared>>
        tpu.enqueue_indirect_dma source(%arg9 : memref<128x128xf32, #tpu.memory_space<vmem>>) target(%dma_start3A_107 : memref<10240x128xf32, #tpu.memory_space<vmem_shared>>) offsets(%arg7 : memref<128xi32, #tpu.memory_space<vmem>>) semaphore(%run_scoped3A : memref<!tpu.dma_semaphore, #tpu.memory_space<semaphore_mem>>) {add = true}
        %dma_wait3A_108 = arith.constant 0 : i32
        %dma_wait3A_109 = arith.constant 0 : i32
        %dma_wait3A_110 = tpu.memref_slice %arg11[%dma_wait3A_108, %dma_wait3A_109] : memref<10240x128xf32, #tpu.memory_space<vmem_shared>> -> memref<10240x128xf32, #tpu.memory_space<vmem_shared>>
        tpu.wait_indirect_dma semaphore(%run_scoped3A : memref<!tpu.dma_semaphore, #tpu.memory_space<semaphore_mem>>) src(%arg9 : memref<128x128xf32, #tpu.memory_space<vmem>>) dst(%dma_wait3A_110 : memref<10240x128xf32, #tpu.memory_space<vmem_shared>>)
        tpu.yield
      }) : () -> ()
      %add3A_67 = arith.constant 2 : i32
      %add3A_68 = arith.addi %mul3A_56, %add3A_67 : i32
      %mul3A_69 = arith.constant 128 : i32
      %mul3A_70 = arith.muli %add3A_68, %mul3A_69 : i32
      %add3A_71 = arith.addi %mul3A_2, %mul3A_70 : i32
      %dma_start3A_72 = tpu.memref_slice %arg4[%add3A_71] : memref<327680xi32, #tpu.memory_space<hbm>> -> memref<128xi32, #tpu.memory_space<hbm>>
      %dma_start3A_73 = tpu.memref_slice %arg4[%add3A_71] : memref<327680xi32, #tpu.memory_space<hbm>> -> memref<128xi32, #tpu.memory_space<hbm>>
      tpu.enqueue_dma source(%dma_start3A_73 : memref<128xi32, #tpu.memory_space<hbm>>) target(%arg7 : memref<128xi32, #tpu.memory_space<vmem>>) target_semaphore(%arg14 : memref<!tpu.dma_semaphore, #tpu.memory_space<semaphore_mem>>)
      %mul3A_74 = arith.constant 128 : i32
      %mul3A_75 = arith.muli %add3A_68, %mul3A_74 : i32
      %dma_start3A_76 = tpu.memref_slice %arg6[%mul3A_75] : memref<10240xi32, #tpu.memory_space<vmem>> -> memref<128xi32, #tpu.memory_space<vmem>>
      %dma_start3A_77 = arith.constant 0 : i32
      %dma_start3A_78 = arith.constant 0 : i32
      %dma_start3A_79 = tpu.memref_slice %arg2[%dma_start3A_77, %dma_start3A_78] : memref<10240x128xf32, #tpu.memory_space<hbm>> -> memref<10240x128xf32, #tpu.memory_space<hbm>>
      tpu.enqueue_indirect_dma source(%dma_start3A_79 : memref<10240x128xf32, #tpu.memory_space<hbm>>) target(%arg9 : memref<128x128xf32, #tpu.memory_space<vmem>>) offsets(%dma_start3A_76 : memref<128xi32, #tpu.memory_space<vmem>>) semaphore(%arg12 : memref<!tpu.dma_semaphore, #tpu.memory_space<semaphore_mem>>)
      %add3A_80 = arith.constant 1 : i32
      %add3A_81 = arith.addi %mul3A_56, %add3A_80 : i32
      %mul3A_82 = arith.constant 128 : i32
      %mul3A_83 = arith.muli %add3A_81, %mul3A_82 : i32
      %dma_wait3A_84 = tpu.memref_slice %arg6[%mul3A_83] : memref<10240xi32, #tpu.memory_space<vmem>> -> memref<128xi32, #tpu.memory_space<vmem>>
      %dma_wait3A_85 = arith.constant 0 : i32
      %dma_wait3A_86 = arith.constant 0 : i32
      %dma_wait3A_87 = tpu.memref_slice %arg2[%dma_wait3A_85, %dma_wait3A_86] : memref<10240x128xf32, #tpu.memory_space<hbm>> -> memref<10240x128xf32, #tpu.memory_space<hbm>>
      tpu.wait_indirect_dma semaphore(%arg13 : memref<!tpu.dma_semaphore, #tpu.memory_space<semaphore_mem>>) src(%dma_wait3A_87 : memref<10240x128xf32, #tpu.memory_space<hbm>>) dst(%arg10 : memref<128x128xf32, #tpu.memory_space<vmem>>)
      %dma_wait3A_88 = arith.constant 0 : i32
      %dma_wait3A_89 = tpu.memref_slice %arg4[%dma_wait3A_88] : memref<327680xi32, #tpu.memory_space<hbm>> -> memref<128xi32, #tpu.memory_space<hbm>>
      %dma_wait3A_90 = arith.constant 0 : i32
      %dma_wait3A_91 = tpu.memref_slice %arg4[%dma_wait3A_90] : memref<327680xi32, #tpu.memory_space<hbm>> -> memref<128xi32, #tpu.memory_space<hbm>>
      tpu.wait_dma2 semaphore(%arg15 : memref<!tpu.dma_semaphore, #tpu.memory_space<semaphore_mem>>) src(%dma_wait3A_91 : memref<128xi32, #tpu.memory_space<hbm>>) dst(%arg8 : memref<128xi32, #tpu.memory_space<vmem>>)
      "tpu.region"() ({
        %run_scoped3A = tpu.sem_alloc : memref<!tpu.dma_semaphore, #tpu.memory_space<semaphore_mem>>
        %dma_start3A_105 = arith.constant 0 : i32
        %dma_start3A_106 = arith.constant 0 : i32
        %dma_start3A_107 = tpu.memref_slice %arg11[%dma_start3A_105, %dma_start3A_106] : memref<10240x128xf32, #tpu.memory_space<vmem_shared>> -> memref<10240x128xf32, #tpu.memory_space<vmem_shared>>
        tpu.enqueue_indirect_dma source(%arg10 : memref<128x128xf32, #tpu.memory_space<vmem>>) target(%dma_start3A_107 : memref<10240x128xf32, #tpu.memory_space<vmem_shared>>) offsets(%arg8 : memref<128xi32, #tpu.memory_space<vmem>>) semaphore(%run_scoped3A : memref<!tpu.dma_semaphore, #tpu.memory_space<semaphore_mem>>) {add = true}
        %dma_wait3A_108 = arith.constant 0 : i32
        %dma_wait3A_109 = arith.constant 0 : i32
        %dma_wait3A_110 = tpu.memref_slice %arg11[%dma_wait3A_108, %dma_wait3A_109] : memref<10240x128xf32, #tpu.memory_space<vmem_shared>> -> memref<10240x128xf32, #tpu.memory_space<vmem_shared>>
        tpu.wait_indirect_dma semaphore(%run_scoped3A : memref<!tpu.dma_semaphore, #tpu.memory_space<semaphore_mem>>) src(%arg10 : memref<128x128xf32, #tpu.memory_space<vmem>>) dst(%dma_wait3A_110 : memref<10240x128xf32, #tpu.memory_space<vmem_shared>>)
        tpu.yield
      }) : () -> ()
      %add3A_92 = arith.constant 2 : i32
      %add3A_93 = arith.addi %add3A_81, %add3A_92 : i32
      %mul3A_94 = arith.constant 128 : i32
      %mul3A_95 = arith.muli %add3A_93, %mul3A_94 : i32
      %add3A_96 = arith.addi %mul3A_2, %mul3A_95 : i32
      %dma_start3A_97 = tpu.memref_slice %arg4[%add3A_96] : memref<327680xi32, #tpu.memory_space<hbm>> -> memref<128xi32, #tpu.memory_space<hbm>>
      %dma_start3A_98 = tpu.memref_slice %arg4[%add3A_96] : memref<327680xi32, #tpu.memory_space<hbm>> -> memref<128xi32, #tpu.memory_space<hbm>>
      tpu.enqueue_dma source(%dma_start3A_98 : memref<128xi32, #tpu.memory_space<hbm>>) target(%arg8 : memref<128xi32, #tpu.memory_space<vmem>>) target_semaphore(%arg15 : memref<!tpu.dma_semaphore, #tpu.memory_space<semaphore_mem>>)
      %mul3A_99 = arith.constant 128 : i32
      %mul3A_100 = arith.muli %add3A_93, %mul3A_99 : i32
      %dma_start3A_101 = tpu.memref_slice %arg6[%mul3A_100] : memref<10240xi32, #tpu.memory_space<vmem>> -> memref<128xi32, #tpu.memory_space<vmem>>
      %dma_start3A_102 = arith.constant 0 : i32
      %dma_start3A_103 = arith.constant 0 : i32
      %dma_start3A_104 = tpu.memref_slice %arg2[%dma_start3A_102, %dma_start3A_103] : memref<10240x128xf32, #tpu.memory_space<hbm>> -> memref<10240x128xf32, #tpu.memory_space<hbm>>
      tpu.enqueue_indirect_dma source(%dma_start3A_104 : memref<10240x128xf32, #tpu.memory_space<hbm>>) target(%arg10 : memref<128x128xf32, #tpu.memory_space<vmem>>) offsets(%dma_start3A_101 : memref<128xi32, #tpu.memory_space<vmem>>) semaphore(%arg13 : memref<!tpu.dma_semaphore, #tpu.memory_space<semaphore_mem>>)
    }
    %scan3A_28 = arith.constant 39 : i32
    %dma_wait3A = arith.constant 9984 : i32
    %dma_wait3A_29 = tpu.memref_slice %arg6[%dma_wait3A] : memref<10240xi32, #tpu.memory_space<vmem>> -> memref<128xi32, #tpu.memory_space<vmem>>
    %dma_wait3A_30 = arith.constant 0 : i32
    %dma_wait3A_31 = arith.constant 0 : i32
    %dma_wait3A_32 = tpu.memref_slice %arg2[%dma_wait3A_30, %dma_wait3A_31] : memref<10240x128xf32, #tpu.memory_space<hbm>> -> memref<10240x128xf32, #tpu.memory_space<hbm>>
    tpu.wait_indirect_dma semaphore(%arg12 : memref<!tpu.dma_semaphore, #tpu.memory_space<semaphore_mem>>) src(%dma_wait3A_32 : memref<10240x128xf32, #tpu.memory_space<hbm>>) dst(%arg9 : memref<128x128xf32, #tpu.memory_space<vmem>>)
    %dma_wait3A_33 = arith.constant 0 : i32
    %dma_wait3A_34 = tpu.memref_slice %arg4[%dma_wait3A_33] : memref<327680xi32, #tpu.memory_space<hbm>> -> memref<128xi32, #tpu.memory_space<hbm>>
    %dma_wait3A_35 = arith.constant 0 : i32
    %dma_wait3A_36 = tpu.memref_slice %arg4[%dma_wait3A_35] : memref<327680xi32, #tpu.memory_space<hbm>> -> memref<128xi32, #tpu.memory_space<hbm>>
    tpu.wait_dma2 semaphore(%arg14 : memref<!tpu.dma_semaphore, #tpu.memory_space<semaphore_mem>>) src(%dma_wait3A_36 : memref<128xi32, #tpu.memory_space<hbm>>) dst(%arg7 : memref<128xi32, #tpu.memory_space<vmem>>)
    "tpu.region"() ({
      %run_scoped3A = tpu.sem_alloc : memref<!tpu.dma_semaphore, #tpu.memory_space<semaphore_mem>>
      %dma_start3A_54 = arith.constant 0 : i32
      %dma_start3A_55 = arith.constant 0 : i32
      %dma_start3A_56 = tpu.memref_slice %arg11[%dma_start3A_54, %dma_start3A_55] : memref<10240x128xf32, #tpu.memory_space<vmem_shared>> -> memref<10240x128xf32, #tpu.memory_space<vmem_shared>>
      tpu.enqueue_indirect_dma source(%arg9 : memref<128x128xf32, #tpu.memory_space<vmem>>) target(%dma_start3A_56 : memref<10240x128xf32, #tpu.memory_space<vmem_shared>>) offsets(%arg7 : memref<128xi32, #tpu.memory_space<vmem>>) semaphore(%run_scoped3A : memref<!tpu.dma_semaphore, #tpu.memory_space<semaphore_mem>>) {add = true}
      %dma_wait3A_57 = arith.constant 0 : i32
      %dma_wait3A_58 = arith.constant 0 : i32
      %dma_wait3A_59 = tpu.memref_slice %arg11[%dma_wait3A_57, %dma_wait3A_58] : memref<10240x128xf32, #tpu.memory_space<vmem_shared>> -> memref<10240x128xf32, #tpu.memory_space<vmem_shared>>
      tpu.wait_indirect_dma semaphore(%run_scoped3A : memref<!tpu.dma_semaphore, #tpu.memory_space<semaphore_mem>>) src(%arg9 : memref<128x128xf32, #tpu.memory_space<vmem>>) dst(%dma_wait3A_59 : memref<10240x128xf32, #tpu.memory_space<vmem_shared>>)
      tpu.yield
    }) : () -> ()
    %dma_wait3A_37 = arith.constant 10112 : i32
    %dma_wait3A_38 = tpu.memref_slice %arg6[%dma_wait3A_37] : memref<10240xi32, #tpu.memory_space<vmem>> -> memref<128xi32, #tpu.memory_space<vmem>>
    %dma_wait3A_39 = arith.constant 0 : i32
    %dma_wait3A_40 = arith.constant 0 : i32
    %dma_wait3A_41 = tpu.memref_slice %arg2[%dma_wait3A_39, %dma_wait3A_40] : memref<10240x128xf32, #tpu.memory_space<hbm>> -> memref<10240x128xf32, #tpu.memory_space<hbm>>
    tpu.wait_indirect_dma semaphore(%arg13 : memref<!tpu.dma_semaphore, #tpu.memory_space<semaphore_mem>>) src(%dma_wait3A_41 : memref<10240x128xf32, #tpu.memory_space<hbm>>) dst(%arg10 : memref<128x128xf32, #tpu.memory_space<vmem>>)
    %dma_wait3A_42 = arith.constant 0 : i32
    %dma_wait3A_43 = tpu.memref_slice %arg4[%dma_wait3A_42] : memref<327680xi32, #tpu.memory_space<hbm>> -> memref<128xi32, #tpu.memory_space<hbm>>
    %dma_wait3A_44 = arith.constant 0 : i32
    %dma_wait3A_45 = tpu.memref_slice %arg4[%dma_wait3A_44] : memref<327680xi32, #tpu.memory_space<hbm>> -> memref<128xi32, #tpu.memory_space<hbm>>
    tpu.wait_dma2 semaphore(%arg15 : memref<!tpu.dma_semaphore, #tpu.memory_space<semaphore_mem>>) src(%dma_wait3A_45 : memref<128xi32, #tpu.memory_space<hbm>>) dst(%arg8 : memref<128xi32, #tpu.memory_space<vmem>>)
    "tpu.region"() ({
      %run_scoped3A = tpu.sem_alloc : memref<!tpu.dma_semaphore, #tpu.memory_space<semaphore_mem>>
      %dma_start3A_54 = arith.constant 0 : i32
      %dma_start3A_55 = arith.constant 0 : i32
      %dma_start3A_56 = tpu.memref_slice %arg11[%dma_start3A_54, %dma_start3A_55] : memref<10240x128xf32, #tpu.memory_space<vmem_shared>> -> memref<10240x128xf32, #tpu.memory_space<vmem_shared>>
      tpu.enqueue_indirect_dma source(%arg10 : memref<128x128xf32, #tpu.memory_space<vmem>>) target(%dma_start3A_56 : memref<10240x128xf32, #tpu.memory_space<vmem_shared>>) offsets(%arg8 : memref<128xi32, #tpu.memory_space<vmem>>) semaphore(%run_scoped3A : memref<!tpu.dma_semaphore, #tpu.memory_space<semaphore_mem>>) {add = true}
      %dma_wait3A_57 = arith.constant 0 : i32
      %dma_wait3A_58 = arith.constant 0 : i32
      %dma_wait3A_59 = tpu.memref_slice %arg11[%dma_wait3A_57, %dma_wait3A_58] : memref<10240x128xf32, #tpu.memory_space<vmem_shared>> -> memref<10240x128xf32, #tpu.memory_space<vmem_shared>>
      tpu.wait_indirect_dma semaphore(%run_scoped3A : memref<!tpu.dma_semaphore, #tpu.memory_space<semaphore_mem>>) src(%arg10 : memref<128x128xf32, #tpu.memory_space<vmem>>) dst(%dma_wait3A_59 : memref<10240x128xf32, #tpu.memory_space<vmem_shared>>)
      tpu.yield
    }) : () -> ()
    %barrier3A_46 = arith.constant 0 : index
    tpu.barrier barrier_id(%barrier3A_46)
    %mul3A_47 = arith.constant 640 : i32
    %mul3A_48 = arith.muli %arg1, %mul3A_47 : i32
    %mul3A_49 = arith.constant 10240 : i32
    %mul3A_50 = arith.muli %arg0, %mul3A_49 : i32
    %mul3A_51 = arith.constant 640 : i32
    %mul3A_52 = arith.muli %arg1, %mul3A_51 : i32
    %add3A_53 = arith.addi %mul3A_50, %mul3A_52 : i32
    "tpu.region"() ({
      %run_scoped3A = tpu.sem_alloc : memref<!tpu.dma_semaphore, #tpu.memory_space<semaphore_mem>>
      %dma_start3A_54 = arith.constant 0 : i32
      %dma_start3A_55 = tpu.memref_slice %arg5[%add3A_53, %dma_start3A_54] : memref<20480x128xf32, #tpu.memory_space<hbm>> -> memref<640x128xf32, #tpu.memory_space<hbm>>
      %dma_start3A_56 = arith.constant 0 : i32
      %dma_start3A_57 = tpu.memref_slice %arg11[%mul3A_48, %dma_start3A_56] : memref<10240x128xf32, #tpu.memory_space<vmem_shared>> -> memref<640x128xf32, #tpu.memory_space<vmem_shared>>
      tpu.enqueue_dma source(%dma_start3A_57 : memref<640x128xf32, #tpu.memory_space<vmem_shared>>) target(%dma_start3A_55 : memref<640x128xf32, #tpu.memory_space<hbm>>) target_semaphore(%run_scoped3A : memref<!tpu.dma_semaphore, #tpu.memory_space<semaphore_mem>>)
      %dma_wait3A_58 = arith.constant 0 : i32
      %dma_wait3A_59 = tpu.memref_slice %arg5[%add3A_53, %dma_wait3A_58] : memref<20480x128xf32, #tpu.memory_space<hbm>> -> memref<640x128xf32, #tpu.memory_space<hbm>>
      %dma_wait3A_60 = arith.constant 0 : i32
      %dma_wait3A_61 = tpu.memref_slice %arg11[%mul3A_48, %dma_wait3A_60] : memref<10240x128xf32, #tpu.memory_space<vmem_shared>> -> memref<640x128xf32, #tpu.memory_space<vmem_shared>>
      tpu.wait_dma2 semaphore(%run_scoped3A : memref<!tpu.dma_semaphore, #tpu.memory_space<semaphore_mem>>) src(%dma_wait3A_61 : memref<640x128xf32, #tpu.memory_space<vmem_shared>>) dst(%dma_wait3A_59 : memref<640x128xf32, #tpu.memory_space<hbm>>)
      tpu.yield
    }) : () -> ()
    return
  }
}

#map = affine_map<(d0, d1) -> (0, 0)>
#map1 = affine_map<(d0, d1) -> (0)>
module attributes {stable_mosaic.version = 14 : i64} {
  func.func @sc_agg(%arg0: i32, %arg1: i32, %arg2: memref<10240x128xf32, #tpu.memory_space<hbm>>, %arg3: memref<327680xi32, #tpu.memory_space<hbm>>, %arg4: memref<327680xi32, #tpu.memory_space<hbm>>, %arg5: memref<20480x128xf32, #tpu.memory_space<hbm>>, %arg6: memref<10240xi32, #tpu.memory_space<vmem>>, %arg7: memref<128xi32, #tpu.memory_space<vmem>>, %arg8: memref<128xi32, #tpu.memory_space<vmem>>, %arg9: memref<128x128xf32, #tpu.memory_space<vmem>>, %arg10: memref<128x128xf32, #tpu.memory_space<vmem>>, %arg11: memref<10240x128xf32, #tpu.memory_space<vmem_shared>>, %arg12: memref<!tpu.dma_semaphore, #tpu.memory_space<semaphore_mem>>, %arg13: memref<!tpu.dma_semaphore, #tpu.memory_space<semaphore_mem>>, %arg14: memref<!tpu.dma_semaphore, #tpu.memory_space<semaphore_mem>>, %arg15: memref<!tpu.dma_semaphore, #tpu.memory_space<semaphore_mem>>) attributes {dimension_semantics = [#tpu.dimension_semantics<core_parallel>, #tpu.dimension_semantics<subcore_parallel>], iteration_bounds = array<i64: 2, 16>, scalar_prefetch = 0 : i64, scratch_operands = 10 : i64, tpu.core_type = #tpu.core_type<sc_vector_subcore>, window_params = [{transform_indices = #map}, {transform_indices = #map1}, {transform_indices = #map1}, {transform_indices = #map}]} {
    %mul3A = arith.constant 2 : i32
    %mul3A_0 = arith.muli %arg1, %mul3A : i32
    %add3A = arith.addi %mul3A_0, %arg0 : i32
    %mul3A_1 = arith.constant 10240 : i32
    %mul3A_2 = arith.muli %add3A, %mul3A_1 : i32
    %mul3A_3 = arith.constant 640 : i32
    %mul3A_4 = arith.muli %arg1, %mul3A_3 : i32
    %mul3A_5 = arith.constant 640 : i32
    %mul3A_6 = arith.muli %arg1, %mul3A_5 : i32
    "tpu.region"() ({
      %run_scoped3A = tpu.sem_alloc : memref<!tpu.dma_semaphore, #tpu.memory_space<semaphore_mem>>
      %dma_start3A_54 = arith.constant 0 : i32
      %dma_start3A_55 = tpu.memref_slice %arg11[%mul3A_6, %dma_start3A_54] : memref<10240x128xf32, #tpu.memory_space<vmem_shared>> -> memref<640x128xf32, #tpu.memory_space<vmem_shared>>
      %dma_start3A_56 = arith.constant 0 : i32
      %dma_start3A_57 = tpu.memref_slice %arg2[%mul3A_4, %dma_start3A_56] : memref<10240x128xf32, #tpu.memory_space<hbm>> -> memref<640x128xf32, #tpu.memory_space<hbm>>
      tpu.enqueue_dma source(%dma_start3A_57 : memref<640x128xf32, #tpu.memory_space<hbm>>) target(%dma_start3A_55 : memref<640x128xf32, #tpu.memory_space<vmem_shared>>) target_semaphore(%run_scoped3A : memref<!tpu.dma_semaphore, #tpu.memory_space<semaphore_mem>>)
      %dma_wait3A_58 = arith.constant 0 : i32
      %dma_wait3A_59 = tpu.memref_slice %arg11[%mul3A_6, %dma_wait3A_58] : memref<10240x128xf32, #tpu.memory_space<vmem_shared>> -> memref<640x128xf32, #tpu.memory_space<vmem_shared>>
      %dma_wait3A_60 = arith.constant 0 : i32
      %dma_wait3A_61 = tpu.memref_slice %arg2[%mul3A_4, %dma_wait3A_60] : memref<10240x128xf32, #tpu.memory_space<hbm>> -> memref<640x128xf32, #tpu.memory_space<hbm>>
      tpu.wait_dma2 semaphore(%run_scoped3A : memref<!tpu.dma_semaphore, #tpu.memory_space<semaphore_mem>>) src(%dma_wait3A_61 : memref<640x128xf32, #tpu.memory_space<hbm>>) dst(%dma_wait3A_59 : memref<640x128xf32, #tpu.memory_space<vmem_shared>>)
      tpu.yield
    }) : () -> ()
    "tpu.region"() ({
      %run_scoped3A = tpu.sem_alloc : memref<!tpu.dma_semaphore, #tpu.memory_space<semaphore_mem>>
      %dma_start3A_54 = tpu.memref_slice %arg3[%mul3A_2] : memref<327680xi32, #tpu.memory_space<hbm>> -> memref<10240xi32, #tpu.memory_space<hbm>>
      %dma_start3A_55 = tpu.memref_slice %arg3[%mul3A_2] : memref<327680xi32, #tpu.memory_space<hbm>> -> memref<10240xi32, #tpu.memory_space<hbm>>
      tpu.enqueue_dma source(%dma_start3A_55 : memref<10240xi32, #tpu.memory_space<hbm>>) target(%arg6 : memref<10240xi32, #tpu.memory_space<vmem>>) target_semaphore(%run_scoped3A : memref<!tpu.dma_semaphore, #tpu.memory_space<semaphore_mem>>)
      %dma_wait3A_56 = tpu.memref_slice %arg3[%mul3A_2] : memref<327680xi32, #tpu.memory_space<hbm>> -> memref<10240xi32, #tpu.memory_space<hbm>>
      %dma_wait3A_57 = tpu.memref_slice %arg3[%mul3A_2] : memref<327680xi32, #tpu.memory_space<hbm>> -> memref<10240xi32, #tpu.memory_space<hbm>>
      tpu.wait_dma2 semaphore(%run_scoped3A : memref<!tpu.dma_semaphore, #tpu.memory_space<semaphore_mem>>) src(%dma_wait3A_57 : memref<10240xi32, #tpu.memory_space<hbm>>) dst(%arg6 : memref<10240xi32, #tpu.memory_space<vmem>>)
      tpu.yield
    }) : () -> ()
    %barrier3A = arith.constant 0 : index
    tpu.barrier barrier_id(%barrier3A)
    %add3A_7 = arith.constant 0 : i32
    %add3A_8 = arith.addi %mul3A_2, %add3A_7 : i32
    %dma_start3A = tpu.memref_slice %arg4[%add3A_8] : memref<327680xi32, #tpu.memory_space<hbm>> -> memref<128xi32, #tpu.memory_space<hbm>>
    %dma_start3A_9 = tpu.memref_slice %arg4[%add3A_8] : memref<327680xi32, #tpu.memory_space<hbm>> -> memref<128xi32, #tpu.memory_space<hbm>>
    tpu.enqueue_dma source(%dma_start3A_9 : memref<128xi32, #tpu.memory_space<hbm>>) target(%arg7 : memref<128xi32, #tpu.memory_space<vmem>>) target_semaphore(%arg14 : memref<!tpu.dma_semaphore, #tpu.memory_space<semaphore_mem>>)
    %dma_start3A_10 = arith.constant 0 : i32
    %dma_start3A_11 = tpu.memref_slice %arg6[%dma_start3A_10] : memref<10240xi32, #tpu.memory_space<vmem>> -> memref<128xi32, #tpu.memory_space<vmem>>
    %dma_start3A_12 = arith.constant 0 : i32
    %dma_start3A_13 = arith.constant 0 : i32
    %dma_start3A_14 = tpu.memref_slice %arg2[%dma_start3A_12, %dma_start3A_13] : memref<10240x128xf32, #tpu.memory_space<hbm>> -> memref<10240x128xf32, #tpu.memory_space<hbm>>
    tpu.enqueue_indirect_dma source(%dma_start3A_14 : memref<10240x128xf32, #tpu.memory_space<hbm>>) target(%arg9 : memref<128x128xf32, #tpu.memory_space<vmem>>) offsets(%dma_start3A_11 : memref<128xi32, #tpu.memory_space<vmem>>) semaphore(%arg12 : memref<!tpu.dma_semaphore, #tpu.memory_space<semaphore_mem>>)
    %add3A_15 = arith.constant 128 : i32
    %add3A_16 = arith.addi %mul3A_2, %add3A_15 : i32
    %dma_start3A_17 = tpu.memref_slice %arg4[%add3A_16] : memref<327680xi32, #tpu.memory_space<hbm>> -> memref<128xi32, #tpu.memory_space<hbm>>
    %dma_start3A_18 = tpu.memref_slice %arg4[%add3A_16] : memref<327680xi32, #tpu.memory_space<hbm>> -> memref<128xi32, #tpu.memory_space<hbm>>
    tpu.enqueue_dma source(%dma_start3A_18 : memref<128xi32, #tpu.memory_space<hbm>>) target(%arg8 : memref<128xi32, #tpu.memory_space<vmem>>) target_semaphore(%arg15 : memref<!tpu.dma_semaphore, #tpu.memory_space<semaphore_mem>>)
    %dma_start3A_19 = arith.constant 128 : i32
    %dma_start3A_20 = tpu.memref_slice %arg6[%dma_start3A_19] : memref<10240xi32, #tpu.memory_space<vmem>> -> memref<128xi32, #tpu.memory_space<vmem>>
    %dma_start3A_21 = arith.constant 0 : i32
    %dma_start3A_22 = arith.constant 0 : i32
    %dma_start3A_23 = tpu.memref_slice %arg2[%dma_start3A_21, %dma_start3A_22] : memref<10240x128xf32, #tpu.memory_space<hbm>> -> memref<10240x128xf32, #tpu.memory_space<hbm>>
    tpu.enqueue_indirect_dma source(%dma_start3A_23 : memref<10240x128xf32, #tpu.memory_space<hbm>>) target(%arg10 : memref<128x128xf32, #tpu.memory_space<vmem>>) offsets(%dma_start3A_20 : memref<128xi32, #tpu.memory_space<vmem>>) semaphore(%arg13 : memref<!tpu.dma_semaphore, #tpu.memory_space<semaphore_mem>>)
    %scan3A = arith.constant 0 : i32
    %scan3A_24 = arith.constant 0 : i32
    %scan3A_25 = arith.constant 39 : i32
    %scan3A_26 = arith.addi %scan3A_24, %scan3A_25 : i32
    %scan3A_27 = arith.constant 1 : i32
    scf.for %scan3A_54 = %scan3A_24 to %scan3A_26 step %scan3A_27  : i32 {
      %mul3A_55 = arith.constant 2 : i32
      %mul3A_56 = arith.muli %mul3A_55, %scan3A_54 : i32
      %mul3A_57 = arith.constant 128 : i32
      %mul3A_58 = arith.muli %mul3A_56, %mul3A_57 : i32
      %dma_wait3A_59 = tpu.memref_slice %arg6[%mul3A_58] : memref<10240xi32, #tpu.memory_space<vmem>> -> memref<128xi32, #tpu.memory_space<vmem>>
      %dma_wait3A_60 = arith.constant 0 : i32
      %dma_wait3A_61 = arith.constant 0 : i32
      %dma_wait3A_62 = tpu.memref_slice %arg2[%dma_wait3A_60, %dma_wait3A_61] : memref<10240x128xf32, #tpu.memory_space<hbm>> -> memref<10240x128xf32, #tpu.memory_space<hbm>>
      tpu.wait_indirect_dma semaphore(%arg12 : memref<!tpu.dma_semaphore, #tpu.memory_space<semaphore_mem>>) src(%dma_wait3A_62 : memref<10240x128xf32, #tpu.memory_space<hbm>>) dst(%arg9 : memref<128x128xf32, #tpu.memory_space<vmem>>)
      %dma_wait3A_63 = arith.constant 0 : i32
      %dma_wait3A_64 = tpu.memref_slice %arg4[%dma_wait3A_63] : memref<327680xi32, #tpu.memory_space<hbm>> -> memref<128xi32, #tpu.memory_space<hbm>>
      %dma_wait3A_65 = arith.constant 0 : i32
      %dma_wait3A_66 = tpu.memref_slice %arg4[%dma_wait3A_65] : memref<327680xi32, #tpu.memory_space<hbm>> -> memref<128xi32, #tpu.memory_space<hbm>>
      tpu.wait_dma2 semaphore(%arg14 : memref<!tpu.dma_semaphore, #tpu.memory_space<semaphore_mem>>) src(%dma_wait3A_66 : memref<128xi32, #tpu.memory_space<hbm>>) dst(%arg7 : memref<128xi32, #tpu.memory_space<vmem>>)
      "tpu.region"() ({
        %run_scoped3A = tpu.sem_alloc : memref<!tpu.dma_semaphore, #tpu.memory_space<semaphore_mem>>
        %dma_start3A_105 = arith.constant 0 : i32
        %dma_start3A_106 = arith.constant 0 : i32
        %dma_start3A_107 = tpu.memref_slice %arg11[%dma_start3A_105, %dma_start3A_106] : memref<10240x128xf32, #tpu.memory_space<vmem_shared>> -> memref<10240x128xf32, #tpu.memory_space<vmem_shared>>
        tpu.enqueue_indirect_dma source(%arg9 : memref<128x128xf32, #tpu.memory_space<vmem>>) target(%dma_start3A_107 : memref<10240x128xf32, #tpu.memory_space<vmem_shared>>) offsets(%arg7 : memref<128xi32, #tpu.memory_space<vmem>>) semaphore(%run_scoped3A : memref<!tpu.dma_semaphore, #tpu.memory_space<semaphore_mem>>) {add = true}
        %dma_wait3A_108 = arith.constant 0 : i32
        %dma_wait3A_109 = arith.constant 0 : i32
        %dma_wait3A_110 = tpu.memref_slice %arg11[%dma_wait3A_108, %dma_wait3A_109] : memref<10240x128xf32, #tpu.memory_space<vmem_shared>> -> memref<10240x128xf32, #tpu.memory_space<vmem_shared>>
        tpu.wait_indirect_dma semaphore(%run_scoped3A : memref<!tpu.dma_semaphore, #tpu.memory_space<semaphore_mem>>) src(%arg9 : memref<128x128xf32, #tpu.memory_space<vmem>>) dst(%dma_wait3A_110 : memref<10240x128xf32, #tpu.memory_space<vmem_shared>>)
        tpu.yield
      }) : () -> ()
      %add3A_67 = arith.constant 2 : i32
      %add3A_68 = arith.addi %mul3A_56, %add3A_67 : i32
      %mul3A_69 = arith.constant 128 : i32
      %mul3A_70 = arith.muli %add3A_68, %mul3A_69 : i32
      %add3A_71 = arith.addi %mul3A_2, %mul3A_70 : i32
      %dma_start3A_72 = tpu.memref_slice %arg4[%add3A_71] : memref<327680xi32, #tpu.memory_space<hbm>> -> memref<128xi32, #tpu.memory_space<hbm>>
      %dma_start3A_73 = tpu.memref_slice %arg4[%add3A_71] : memref<327680xi32, #tpu.memory_space<hbm>> -> memref<128xi32, #tpu.memory_space<hbm>>
      tpu.enqueue_dma source(%dma_start3A_73 : memref<128xi32, #tpu.memory_space<hbm>>) target(%arg7 : memref<128xi32, #tpu.memory_space<vmem>>) target_semaphore(%arg14 : memref<!tpu.dma_semaphore, #tpu.memory_space<semaphore_mem>>)
      %mul3A_74 = arith.constant 128 : i32
      %mul3A_75 = arith.muli %add3A_68, %mul3A_74 : i32
      %dma_start3A_76 = tpu.memref_slice %arg6[%mul3A_75] : memref<10240xi32, #tpu.memory_space<vmem>> -> memref<128xi32, #tpu.memory_space<vmem>>
      %dma_start3A_77 = arith.constant 0 : i32
      %dma_start3A_78 = arith.constant 0 : i32
      %dma_start3A_79 = tpu.memref_slice %arg2[%dma_start3A_77, %dma_start3A_78] : memref<10240x128xf32, #tpu.memory_space<hbm>> -> memref<10240x128xf32, #tpu.memory_space<hbm>>
      tpu.enqueue_indirect_dma source(%dma_start3A_79 : memref<10240x128xf32, #tpu.memory_space<hbm>>) target(%arg9 : memref<128x128xf32, #tpu.memory_space<vmem>>) offsets(%dma_start3A_76 : memref<128xi32, #tpu.memory_space<vmem>>) semaphore(%arg12 : memref<!tpu.dma_semaphore, #tpu.memory_space<semaphore_mem>>)
      %add3A_80 = arith.constant 1 : i32
      %add3A_81 = arith.addi %mul3A_56, %add3A_80 : i32
      %mul3A_82 = arith.constant 128 : i32
      %mul3A_83 = arith.muli %add3A_81, %mul3A_82 : i32
      %dma_wait3A_84 = tpu.memref_slice %arg6[%mul3A_83] : memref<10240xi32, #tpu.memory_space<vmem>> -> memref<128xi32, #tpu.memory_space<vmem>>
      %dma_wait3A_85 = arith.constant 0 : i32
      %dma_wait3A_86 = arith.constant 0 : i32
      %dma_wait3A_87 = tpu.memref_slice %arg2[%dma_wait3A_85, %dma_wait3A_86] : memref<10240x128xf32, #tpu.memory_space<hbm>> -> memref<10240x128xf32, #tpu.memory_space<hbm>>
      tpu.wait_indirect_dma semaphore(%arg13 : memref<!tpu.dma_semaphore, #tpu.memory_space<semaphore_mem>>) src(%dma_wait3A_87 : memref<10240x128xf32, #tpu.memory_space<hbm>>) dst(%arg10 : memref<128x128xf32, #tpu.memory_space<vmem>>)
      %dma_wait3A_88 = arith.constant 0 : i32
      %dma_wait3A_89 = tpu.memref_slice %arg4[%dma_wait3A_88] : memref<327680xi32, #tpu.memory_space<hbm>> -> memref<128xi32, #tpu.memory_space<hbm>>
      %dma_wait3A_90 = arith.constant 0 : i32
      %dma_wait3A_91 = tpu.memref_slice %arg4[%dma_wait3A_90] : memref<327680xi32, #tpu.memory_space<hbm>> -> memref<128xi32, #tpu.memory_space<hbm>>
      tpu.wait_dma2 semaphore(%arg15 : memref<!tpu.dma_semaphore, #tpu.memory_space<semaphore_mem>>) src(%dma_wait3A_91 : memref<128xi32, #tpu.memory_space<hbm>>) dst(%arg8 : memref<128xi32, #tpu.memory_space<vmem>>)
      "tpu.region"() ({
        %run_scoped3A = tpu.sem_alloc : memref<!tpu.dma_semaphore, #tpu.memory_space<semaphore_mem>>
        %dma_start3A_105 = arith.constant 0 : i32
        %dma_start3A_106 = arith.constant 0 : i32
        %dma_start3A_107 = tpu.memref_slice %arg11[%dma_start3A_105, %dma_start3A_106] : memref<10240x128xf32, #tpu.memory_space<vmem_shared>> -> memref<10240x128xf32, #tpu.memory_space<vmem_shared>>
        tpu.enqueue_indirect_dma source(%arg10 : memref<128x128xf32, #tpu.memory_space<vmem>>) target(%dma_start3A_107 : memref<10240x128xf32, #tpu.memory_space<vmem_shared>>) offsets(%arg8 : memref<128xi32, #tpu.memory_space<vmem>>) semaphore(%run_scoped3A : memref<!tpu.dma_semaphore, #tpu.memory_space<semaphore_mem>>) {add = true}
        %dma_wait3A_108 = arith.constant 0 : i32
        %dma_wait3A_109 = arith.constant 0 : i32
        %dma_wait3A_110 = tpu.memref_slice %arg11[%dma_wait3A_108, %dma_wait3A_109] : memref<10240x128xf32, #tpu.memory_space<vmem_shared>> -> memref<10240x128xf32, #tpu.memory_space<vmem_shared>>
        tpu.wait_indirect_dma semaphore(%run_scoped3A : memref<!tpu.dma_semaphore, #tpu.memory_space<semaphore_mem>>) src(%arg10 : memref<128x128xf32, #tpu.memory_space<vmem>>) dst(%dma_wait3A_110 : memref<10240x128xf32, #tpu.memory_space<vmem_shared>>)
        tpu.yield
      }) : () -> ()
      %add3A_92 = arith.constant 2 : i32
      %add3A_93 = arith.addi %add3A_81, %add3A_92 : i32
      %mul3A_94 = arith.constant 128 : i32
      %mul3A_95 = arith.muli %add3A_93, %mul3A_94 : i32
      %add3A_96 = arith.addi %mul3A_2, %mul3A_95 : i32
      %dma_start3A_97 = tpu.memref_slice %arg4[%add3A_96] : memref<327680xi32, #tpu.memory_space<hbm>> -> memref<128xi32, #tpu.memory_space<hbm>>
      %dma_start3A_98 = tpu.memref_slice %arg4[%add3A_96] : memref<327680xi32, #tpu.memory_space<hbm>> -> memref<128xi32, #tpu.memory_space<hbm>>
      tpu.enqueue_dma source(%dma_start3A_98 : memref<128xi32, #tpu.memory_space<hbm>>) target(%arg8 : memref<128xi32, #tpu.memory_space<vmem>>) target_semaphore(%arg15 : memref<!tpu.dma_semaphore, #tpu.memory_space<semaphore_mem>>)
      %mul3A_99 = arith.constant 128 : i32
      %mul3A_100 = arith.muli %add3A_93, %mul3A_99 : i32
      %dma_start3A_101 = tpu.memref_slice %arg6[%mul3A_100] : memref<10240xi32, #tpu.memory_space<vmem>> -> memref<128xi32, #tpu.memory_space<vmem>>
      %dma_start3A_102 = arith.constant 0 : i32
      %dma_start3A_103 = arith.constant 0 : i32
      %dma_start3A_104 = tpu.memref_slice %arg2[%dma_start3A_102, %dma_start3A_103] : memref<10240x128xf32, #tpu.memory_space<hbm>> -> memref<10240x128xf32, #tpu.memory_space<hbm>>
      tpu.enqueue_indirect_dma source(%dma_start3A_104 : memref<10240x128xf32, #tpu.memory_space<hbm>>) target(%arg10 : memref<128x128xf32, #tpu.memory_space<vmem>>) offsets(%dma_start3A_101 : memref<128xi32, #tpu.memory_space<vmem>>) semaphore(%arg13 : memref<!tpu.dma_semaphore, #tpu.memory_space<semaphore_mem>>)
    }
    %scan3A_28 = arith.constant 39 : i32
    %dma_wait3A = arith.constant 9984 : i32
    %dma_wait3A_29 = tpu.memref_slice %arg6[%dma_wait3A] : memref<10240xi32, #tpu.memory_space<vmem>> -> memref<128xi32, #tpu.memory_space<vmem>>
    %dma_wait3A_30 = arith.constant 0 : i32
    %dma_wait3A_31 = arith.constant 0 : i32
    %dma_wait3A_32 = tpu.memref_slice %arg2[%dma_wait3A_30, %dma_wait3A_31] : memref<10240x128xf32, #tpu.memory_space<hbm>> -> memref<10240x128xf32, #tpu.memory_space<hbm>>
    tpu.wait_indirect_dma semaphore(%arg12 : memref<!tpu.dma_semaphore, #tpu.memory_space<semaphore_mem>>) src(%dma_wait3A_32 : memref<10240x128xf32, #tpu.memory_space<hbm>>) dst(%arg9 : memref<128x128xf32, #tpu.memory_space<vmem>>)
    %dma_wait3A_33 = arith.constant 0 : i32
    %dma_wait3A_34 = tpu.memref_slice %arg4[%dma_wait3A_33] : memref<327680xi32, #tpu.memory_space<hbm>> -> memref<128xi32, #tpu.memory_space<hbm>>
    %dma_wait3A_35 = arith.constant 0 : i32
    %dma_wait3A_36 = tpu.memref_slice %arg4[%dma_wait3A_35] : memref<327680xi32, #tpu.memory_space<hbm>> -> memref<128xi32, #tpu.memory_space<hbm>>
    tpu.wait_dma2 semaphore(%arg14 : memref<!tpu.dma_semaphore, #tpu.memory_space<semaphore_mem>>) src(%dma_wait3A_36 : memref<128xi32, #tpu.memory_space<hbm>>) dst(%arg7 : memref<128xi32, #tpu.memory_space<vmem>>)
    "tpu.region"() ({
      %run_scoped3A = tpu.sem_alloc : memref<!tpu.dma_semaphore, #tpu.memory_space<semaphore_mem>>
      %dma_start3A_54 = arith.constant 0 : i32
      %dma_start3A_55 = arith.constant 0 : i32
      %dma_start3A_56 = tpu.memref_slice %arg11[%dma_start3A_54, %dma_start3A_55] : memref<10240x128xf32, #tpu.memory_space<vmem_shared>> -> memref<10240x128xf32, #tpu.memory_space<vmem_shared>>
      tpu.enqueue_indirect_dma source(%arg9 : memref<128x128xf32, #tpu.memory_space<vmem>>) target(%dma_start3A_56 : memref<10240x128xf32, #tpu.memory_space<vmem_shared>>) offsets(%arg7 : memref<128xi32, #tpu.memory_space<vmem>>) semaphore(%run_scoped3A : memref<!tpu.dma_semaphore, #tpu.memory_space<semaphore_mem>>) {add = true}
      %dma_wait3A_57 = arith.constant 0 : i32
      %dma_wait3A_58 = arith.constant 0 : i32
      %dma_wait3A_59 = tpu.memref_slice %arg11[%dma_wait3A_57, %dma_wait3A_58] : memref<10240x128xf32, #tpu.memory_space<vmem_shared>> -> memref<10240x128xf32, #tpu.memory_space<vmem_shared>>
      tpu.wait_indirect_dma semaphore(%run_scoped3A : memref<!tpu.dma_semaphore, #tpu.memory_space<semaphore_mem>>) src(%arg9 : memref<128x128xf32, #tpu.memory_space<vmem>>) dst(%dma_wait3A_59 : memref<10240x128xf32, #tpu.memory_space<vmem_shared>>)
      tpu.yield
    }) : () -> ()
    %dma_wait3A_37 = arith.constant 10112 : i32
    %dma_wait3A_38 = tpu.memref_slice %arg6[%dma_wait3A_37] : memref<10240xi32, #tpu.memory_space<vmem>> -> memref<128xi32, #tpu.memory_space<vmem>>
    %dma_wait3A_39 = arith.constant 0 : i32
    %dma_wait3A_40 = arith.constant 0 : i32
    %dma_wait3A_41 = tpu.memref_slice %arg2[%dma_wait3A_39, %dma_wait3A_40] : memref<10240x128xf32, #tpu.memory_space<hbm>> -> memref<10240x128xf32, #tpu.memory_space<hbm>>
    tpu.wait_indirect_dma semaphore(%arg13 : memref<!tpu.dma_semaphore, #tpu.memory_space<semaphore_mem>>) src(%dma_wait3A_41 : memref<10240x128xf32, #tpu.memory_space<hbm>>) dst(%arg10 : memref<128x128xf32, #tpu.memory_space<vmem>>)
    %dma_wait3A_42 = arith.constant 0 : i32
    %dma_wait3A_43 = tpu.memref_slice %arg4[%dma_wait3A_42] : memref<327680xi32, #tpu.memory_space<hbm>> -> memref<128xi32, #tpu.memory_space<hbm>>
    %dma_wait3A_44 = arith.constant 0 : i32
    %dma_wait3A_45 = tpu.memref_slice %arg4[%dma_wait3A_44] : memref<327680xi32, #tpu.memory_space<hbm>> -> memref<128xi32, #tpu.memory_space<hbm>>
    tpu.wait_dma2 semaphore(%arg15 : memref<!tpu.dma_semaphore, #tpu.memory_space<semaphore_mem>>) src(%dma_wait3A_45 : memref<128xi32, #tpu.memory_space<hbm>>) dst(%arg8 : memref<128xi32, #tpu.memory_space<vmem>>)
    "tpu.region"() ({
      %run_scoped3A = tpu.sem_alloc : memref<!tpu.dma_semaphore, #tpu.memory_space<semaphore_mem>>
      %dma_start3A_54 = arith.constant 0 : i32
      %dma_start3A_55 = arith.constant 0 : i32
      %dma_start3A_56 = tpu.memref_slice %arg11[%dma_start3A_54, %dma_start3A_55] : memref<10240x128xf32, #tpu.memory_space<vmem_shared>> -> memref<10240x128xf32, #tpu.memory_space<vmem_shared>>
      tpu.enqueue_indirect_dma source(%arg10 : memref<128x128xf32, #tpu.memory_space<vmem>>) target(%dma_start3A_56 : memref<10240x128xf32, #tpu.memory_space<vmem_shared>>) offsets(%arg8 : memref<128xi32, #tpu.memory_space<vmem>>) semaphore(%run_scoped3A : memref<!tpu.dma_semaphore, #tpu.memory_space<semaphore_mem>>) {add = true}
      %dma_wait3A_57 = arith.constant 0 : i32
      %dma_wait3A_58 = arith.constant 0 : i32
      %dma_wait3A_59 = tpu.memref_slice %arg11[%dma_wait3A_57, %dma_wait3A_58] : memref<10240x128xf32, #tpu.memory_space<vmem_shared>> -> memref<10240x128xf32, #tpu.memory_space<vmem_shared>>
      tpu.wait_indirect_dma semaphore(%run_scoped3A : memref<!tpu.dma_semaphore, #tpu.memory_space<semaphore_mem>>) src(%arg10 : memref<128x128xf32, #tpu.memory_space<vmem>>) dst(%dma_wait3A_59 : memref<10240x128xf32, #tpu.memory_space<vmem_shared>>)
      tpu.yield
    }) : () -> ()
    %barrier3A_46 = arith.constant 0 : index
    tpu.barrier barrier_id(%barrier3A_46)
    %mul3A_47 = arith.constant 640 : i32
    %mul3A_48 = arith.muli %arg1, %mul3A_47 : i32
    %mul3A_49 = arith.constant 10240 : i32
    %mul3A_50 = arith.muli %arg0, %mul3A_49 : i32
    %mul3A_51 = arith.constant 640 : i32
    %mul3A_52 = arith.muli %arg1, %mul3A_51 : i32
    %add3A_53 = arith.addi %mul3A_50, %mul3A_52 : i32
    "tpu.region"() ({
      %run_scoped3A = tpu.sem_alloc : memref<!tpu.dma_semaphore, #tpu.memory_space<semaphore_mem>>
      %dma_start3A_54 = arith.constant 0 : i32
      %dma_start3A_55 = tpu.memref_slice %arg5[%add3A_53, %dma_start3A_54] : memref<20480x128xf32, #tpu.memory_space<hbm>> -> memref<640x128xf32, #tpu.memory_space<hbm>>
      %dma_start3A_56 = arith.constant 0 : i32
      %dma_start3A_57 = tpu.memref_slice %arg11[%mul3A_48, %dma_start3A_56] : memref<10240x128xf32, #tpu.memory_space<vmem_shared>> -> memref<640x128xf32, #tpu.memory_space<vmem_shared>>
      tpu.enqueue_dma source(%dma_start3A_57 : memref<640x128xf32, #tpu.memory_space<vmem_shared>>) target(%dma_start3A_55 : memref<640x128xf32, #tpu.memory_space<hbm>>) target_semaphore(%run_scoped3A : memref<!tpu.dma_semaphore, #tpu.memory_space<semaphore_mem>>)
      %dma_wait3A_58 = arith.constant 0 : i32
      %dma_wait3A_59 = tpu.memref_slice %arg5[%add3A_53, %dma_wait3A_58] : memref<20480x128xf32, #tpu.memory_space<hbm>> -> memref<640x128xf32, #tpu.memory_space<hbm>>
      %dma_wait3A_60 = arith.constant 0 : i32
      %dma_wait3A_61 = tpu.memref_slice %arg11[%mul3A_48, %dma_wait3A_60] : memref<10240x128xf32, #tpu.memory_space<vmem_shared>> -> memref<640x128xf32, #tpu.memory_space<vmem_shared>>
      tpu.wait_dma2 semaphore(%run_scoped3A : memref<!tpu.dma_semaphore, #tpu.memory_space<semaphore_mem>>) src(%dma_wait3A_61 : memref<640x128xf32, #tpu.memory_space<vmem_shared>>) dst(%dma_wait3A_59 : memref<640x128xf32, #tpu.memory_space<hbm>>)
      tpu.yield
    }) : () -> ()
    return
  }
}

module attributes {stable_mosaic.version = 14 : i64} {
  func.func @body(%arg0: i32, %arg1: memref<256x128xf32, #tpu.memory_space<vmem>>, %arg2: memref<256x128xf32, #tpu.memory_space<vmem>>, %arg3: memref<256x128xf32, #tpu.memory_space<vmem>>, %arg4: memref<128x256xf32, #tpu.memory_space<vmem>>, %arg5: memref<1x256xf32, #tpu.memory_space<vmem>>, %arg6: memref<1x256xf32, #tpu.memory_space<vmem>>, %arg7: memref<1x256xf32, #tpu.memory_space<vmem>>, %arg8: memref<256x128xf32, #tpu.memory_space<vmem>>, %arg9: memref<1x128xf32, #tpu.memory_space<vmem>>, %arg10: memref<1x128xf32, #tpu.memory_space<vmem>>, %arg11: memref<1x128xf32, #tpu.memory_space<vmem>>, %arg12: memref<1x128xf32, #tpu.memory_space<vmem>>, %arg13: memref<256x128xf32, #tpu.memory_space<vmem>>) attributes {dimension_semantics = [#tpu.dimension_semantics<arbitrary>], iteration_bounds = array<i64: 40>, scalar_prefetch = 0 : i64, scratch_operands = 0 : i64, tpu.core_type = #tpu.core_type<tc>, window_params = [{transform_indices = @transform_0, window_bounds = array<i64: 256, 128>}, {transform_indices = @transform_1, window_bounds = array<i64: 256, 128>}, {transform_indices = @transform_2, window_bounds = array<i64: 256, 128>}, {pipeline_mode = #tpu.pipeline_mode<synchronous>, transform_indices = @transform_3, window_bounds = array<i64: 128, 256>}, {pipeline_mode = #tpu.pipeline_mode<synchronous>, transform_indices = @transform_4, window_bounds = array<i64: 1, 256>}, {pipeline_mode = #tpu.pipeline_mode<synchronous>, transform_indices = @transform_5, window_bounds = array<i64: 1, 256>}, {pipeline_mode = #tpu.pipeline_mode<synchronous>, transform_indices = @transform_6, window_bounds = array<i64: 1, 256>}, {pipeline_mode = #tpu.pipeline_mode<synchronous>, transform_indices = @transform_7, window_bounds = array<i64: 256, 128>}, {pipeline_mode = #tpu.pipeline_mode<synchronous>, transform_indices = @transform_8, window_bounds = array<i64: 1, 128>}, {pipeline_mode = #tpu.pipeline_mode<synchronous>, transform_indices = @transform_9, window_bounds = array<i64: 1, 128>}, {pipeline_mode = #tpu.pipeline_mode<synchronous>, transform_indices = @transform_10, window_bounds = array<i64: 1, 128>}, {pipeline_mode = #tpu.pipeline_mode<synchronous>, transform_indices = @transform_11, window_bounds = array<i64: 1, 128>}, {transform_indices = @transform_12, window_bounds = array<i64: 256, 128>}]} {
    %get3A = arith.constant 0 : index
    %get3A_0 = arith.constant 0 : index
    %get3A_1 = vector.load %arg1[%get3A, %get3A_0] : memref<256x128xf32, #tpu.memory_space<vmem>>, vector<256x128xf32>
    %get3A_2 = arith.constant 0 : index
    %get3A_3 = arith.constant 0 : index
    %get3A_4 = vector.load %arg2[%get3A_2, %get3A_3] : memref<256x128xf32, #tpu.memory_space<vmem>>, vector<256x128xf32>
    %add3A = arith.addf %get3A_1, %get3A_4 : vector<256x128xf32>
    %get3A_5 = arith.constant 0 : index
    %get3A_6 = arith.constant 0 : index
    %get3A_7 = vector.load %arg3[%get3A_5, %get3A_6] : memref<256x128xf32, #tpu.memory_space<vmem>>, vector<256x128xf32>
    %sub3A = arith.subf %add3A, %get3A_7 : vector<256x128xf32>
    %get3A_8 = arith.constant 0 : index
    %get3A_9 = arith.constant 0 : index
    %get3A_10 = vector.load %arg4[%get3A_8, %get3A_9] : memref<128x256xf32, #tpu.memory_space<vmem>>, vector<128x256xf32>
    %get3A_11 = arith.constant 0 : index
    %get3A_12 = arith.constant 0 : index
    %get3A_13 = vector.load %arg5[%get3A_11, %get3A_12] : memref<1x256xf32, #tpu.memory_space<vmem>>, vector<1x256xf32>
    %get3A_14 = arith.constant 0 : index
    %get3A_15 = arith.constant 0 : index
    %get3A_16 = vector.load %arg6[%get3A_14, %get3A_15] : memref<1x256xf32, #tpu.memory_space<vmem>>, vector<1x256xf32>
    %get3A_17 = arith.constant 0 : index
    %get3A_18 = arith.constant 0 : index
    %get3A_19 = vector.load %arg7[%get3A_17, %get3A_18] : memref<1x256xf32, #tpu.memory_space<vmem>>, vector<1x256xf32>
    %get3A_20 = arith.constant 0 : index
    %get3A_21 = arith.constant 0 : index
    %get3A_22 = vector.load %arg8[%get3A_20, %get3A_21] : memref<256x128xf32, #tpu.memory_space<vmem>>, vector<256x128xf32>
    %get3A_23 = arith.constant 0 : index
    %get3A_24 = arith.constant 0 : index
    %get3A_25 = vector.load %arg9[%get3A_23, %get3A_24] : memref<1x128xf32, #tpu.memory_space<vmem>>, vector<1x128xf32>
    %dot_general3A = arith.constant dense<0.000000e+00> : vector<256x256xf32>
    %dot_general3A_26 = tpu.matmul %sub3A, %get3A_10, %dot_general3A {dimension_numbers = #tpu.dot_dimension_numbers<[1], [0], [0], [1], [0, 0, 1, 1], [], []>, transpose_lhs_hint = false} : vector<256x128xf32>, vector<128x256xf32>, vector<256x256xf32> -> vector<256x256xf32>
    %add3A_27 = vector.broadcast %get3A_13 : vector<1x256xf32> to vector<256x256xf32>
    %add3A_28 = arith.addf %dot_general3A_26, %add3A_27 : vector<256x256xf32>
    %mul3A = vector.broadcast %get3A_16 : vector<1x256xf32> to vector<256x256xf32>
    %mul3A_29 = arith.mulf %add3A_28, %mul3A : vector<256x256xf32>
    %add3A_30 = vector.broadcast %get3A_19 : vector<1x256xf32> to vector<256x256xf32>
    %add3A_31 = arith.addf %mul3A_29, %add3A_30 : vector<256x256xf32>
    %max3A = arith.constant 0.000000e+00 : f32
    %max3A_32 = vector.broadcast %max3A : f32 to vector<256x256xf32>
    %max3A_33 = arith.maximumf %add3A_31, %max3A_32 : vector<256x256xf32>
    %dot_general3A_34 = arith.constant dense<0.000000e+00> : vector<256x128xf32>
    %dot_general3A_35 = tpu.matmul %max3A_33, %get3A_22, %dot_general3A_34 {dimension_numbers = #tpu.dot_dimension_numbers<[1], [0], [0], [1], [0, 0, 1, 1], [], []>, transpose_lhs_hint = false} : vector<256x256xf32>, vector<256x128xf32>, vector<256x128xf32> -> vector<256x128xf32>
    %add3A_36 = vector.broadcast %get3A_25 : vector<1x128xf32> to vector<256x128xf32>
    %add3A_37 = arith.addf %dot_general3A_35, %add3A_36 : vector<256x128xf32>
    %get3A_38 = arith.constant 0 : index
    %get3A_39 = arith.constant 0 : index
    %get3A_40 = vector.load %arg10[%get3A_38, %get3A_39] : memref<1x128xf32, #tpu.memory_space<vmem>>, vector<1x128xf32>
    %mul3A_41 = vector.broadcast %get3A_40 : vector<1x128xf32> to vector<256x128xf32>
    %mul3A_42 = arith.mulf %add3A_37, %mul3A_41 : vector<256x128xf32>
    %get3A_43 = arith.constant 0 : index
    %get3A_44 = arith.constant 0 : index
    %get3A_45 = vector.load %arg11[%get3A_43, %get3A_44] : memref<1x128xf32, #tpu.memory_space<vmem>>, vector<1x128xf32>
    %add3A_46 = vector.broadcast %get3A_45 : vector<1x128xf32> to vector<256x128xf32>
    %add3A_47 = arith.addf %mul3A_42, %add3A_46 : vector<256x128xf32>
    %max3A_48 = arith.constant 0.000000e+00 : f32
    %max3A_49 = vector.broadcast %max3A_48 : f32 to vector<256x128xf32>
    %max3A_50 = arith.maximumf %add3A_47, %max3A_49 : vector<256x128xf32>
    %get3A_51 = arith.constant 0 : index
    %get3A_52 = arith.constant 0 : index
    %get3A_53 = vector.load %arg12[%get3A_51, %get3A_52] : memref<1x128xf32, #tpu.memory_space<vmem>>, vector<1x128xf32>
    %add3A_54 = vector.broadcast %get3A_53 : vector<1x128xf32> to vector<256x128xf32>
    %add3A_55 = arith.addf %max3A_50, %add3A_54 : vector<256x128xf32>
    %swap3A = arith.constant 0 : index
    %swap3A_56 = arith.constant 0 : index
    %swap3A_57 = vector.load %arg13[%swap3A, %swap3A_56] : memref<256x128xf32, #tpu.memory_space<vmem>>, vector<256x128xf32>
    tpu.vector_store %arg13[%swap3A, %swap3A_56], %add3A_55 {strides = array<i32>} : memref<256x128xf32, #tpu.memory_space<vmem>>, vector<256x128xf32>,
    return
  }
  func.func @transform_0(%arg0: i32) -> (i32, i32) {
    %c0_i32 = arith.constant 0 : i32
    %c0_i32_0 = arith.constant 0 : i32
    return %arg0, %c0_i32 : i32, i32
  }
  func.func @transform_1(%arg0: i32) -> (i32, i32) {
    %add3A = arith.constant 40 : i32
    %add3A_0 = arith.addi %add3A, %arg0 : i32
    %c0_i32 = arith.constant 0 : i32
    %c0_i32_1 = arith.constant 0 : i32
    return %add3A_0, %c0_i32 : i32, i32
  }
  func.func @transform_2(%arg0: i32) -> (i32, i32) {
    %c0_i32 = arith.constant 0 : i32
    %c0_i32_0 = arith.constant 0 : i32
    return %arg0, %c0_i32 : i32, i32
  }
  func.func @transform_3(%arg0: i32) -> (i32, i32) {
    %c0_i32 = arith.constant 0 : i32
    %c0_i32_0 = arith.constant 0 : i32
    %c0_i32_1 = arith.constant 0 : i32
    return %c0_i32, %c0_i32_0 : i32, i32
  }
  func.func @transform_4(%arg0: i32) -> (i32, i32) {
    %c0_i32 = arith.constant 0 : i32
    %c0_i32_0 = arith.constant 0 : i32
    %c0_i32_1 = arith.constant 0 : i32
    return %c0_i32, %c0_i32_0 : i32, i32
  }
  func.func @transform_5(%arg0: i32) -> (i32, i32) {
    %c0_i32 = arith.constant 0 : i32
    %c0_i32_0 = arith.constant 0 : i32
    %c0_i32_1 = arith.constant 0 : i32
    return %c0_i32, %c0_i32_0 : i32, i32
  }
  func.func @transform_6(%arg0: i32) -> (i32, i32) {
    %c0_i32 = arith.constant 0 : i32
    %c0_i32_0 = arith.constant 0 : i32
    %c0_i32_1 = arith.constant 0 : i32
    return %c0_i32, %c0_i32_0 : i32, i32
  }
  func.func @transform_7(%arg0: i32) -> (i32, i32) {
    %c0_i32 = arith.constant 0 : i32
    %c0_i32_0 = arith.constant 0 : i32
    %c0_i32_1 = arith.constant 0 : i32
    return %c0_i32, %c0_i32_0 : i32, i32
  }
  func.func @transform_8(%arg0: i32) -> (i32, i32) {
    %c0_i32 = arith.constant 0 : i32
    %c0_i32_0 = arith.constant 0 : i32
    %c0_i32_1 = arith.constant 0 : i32
    return %c0_i32, %c0_i32_0 : i32, i32
  }
  func.func @transform_9(%arg0: i32) -> (i32, i32) {
    %c0_i32 = arith.constant 0 : i32
    %c0_i32_0 = arith.constant 0 : i32
    %c0_i32_1 = arith.constant 0 : i32
    return %c0_i32, %c0_i32_0 : i32, i32
  }
  func.func @transform_10(%arg0: i32) -> (i32, i32) {
    %c0_i32 = arith.constant 0 : i32
    %c0_i32_0 = arith.constant 0 : i32
    %c0_i32_1 = arith.constant 0 : i32
    return %c0_i32, %c0_i32_0 : i32, i32
  }
  func.func @transform_11(%arg0: i32) -> (i32, i32) {
    %c0_i32 = arith.constant 0 : i32
    %c0_i32_0 = arith.constant 0 : i32
    %c0_i32_1 = arith.constant 0 : i32
    return %c0_i32, %c0_i32_0 : i32, i32
  }
  func.func @transform_12(%arg0: i32) -> (i32, i32) {
    %c0_i32 = arith.constant 0 : i32
    %c0_i32_0 = arith.constant 0 : i32
    return %arg0, %c0_i32 : i32, i32
  }
}

module attributes {stable_mosaic.version = 14 : i64} {
  func.func @body(%arg0: i32, %arg1: memref<256x128xf32, #tpu.memory_space<vmem>>, %arg2: memref<256x128xf32, #tpu.memory_space<vmem>>, %arg3: memref<256x128xf32, #tpu.memory_space<vmem>>, %arg4: memref<1x1x256xi32, #tpu.memory_space<vmem>>, %arg5: memref<128x256xf32, #tpu.memory_space<vmem>>, %arg6: memref<1x256xf32, #tpu.memory_space<vmem>>, %arg7: memref<1x256xf32, #tpu.memory_space<vmem>>, %arg8: memref<1x256xf32, #tpu.memory_space<vmem>>, %arg9: memref<256x128xf32, #tpu.memory_space<vmem>>, %arg10: memref<1x128xf32, #tpu.memory_space<vmem>>, %arg11: memref<1x128xf32, #tpu.memory_space<vmem>>, %arg12: memref<1x128xf32, #tpu.memory_space<vmem>>, %arg13: memref<256x128xf32, #tpu.memory_space<vmem>>, %arg14: memref<64x128xf32, #tpu.memory_space<vmem>>) attributes {dimension_semantics = [#tpu.dimension_semantics<arbitrary>], iteration_bounds = array<i64: 40>, scalar_prefetch = 0 : i64, scratch_operands = 0 : i64, tpu.core_type = #tpu.core_type<tc>, window_params = [{transform_indices = @transform_0, window_bounds = array<i64: 256, 128>}, {transform_indices = @transform_1, window_bounds = array<i64: 256, 128>}, {transform_indices = @transform_2, window_bounds = array<i64: 256, 128>}, {transform_indices = @transform_3, window_bounds = array<i64: 1, 1, 256>}, {pipeline_mode = #tpu.pipeline_mode<synchronous>, transform_indices = @transform_4, window_bounds = array<i64: 128, 256>}, {pipeline_mode = #tpu.pipeline_mode<synchronous>, transform_indices = @transform_5, window_bounds = array<i64: 1, 256>}, {pipeline_mode = #tpu.pipeline_mode<synchronous>, transform_indices = @transform_6, window_bounds = array<i64: 1, 256>}, {pipeline_mode = #tpu.pipeline_mode<synchronous>, transform_indices = @transform_7, window_bounds = array<i64: 1, 256>}, {pipeline_mode = #tpu.pipeline_mode<synchronous>, transform_indices = @transform_8, window_bounds = array<i64: 256, 128>}, {pipeline_mode = #tpu.pipeline_mode<synchronous>, transform_indices = @transform_9, window_bounds = array<i64: 1, 128>}, {pipeline_mode = #tpu.pipeline_mode<synchronous>, transform_indices = @transform_10, window_bounds = array<i64: 1, 128>}, {pipeline_mode = #tpu.pipeline_mode<synchronous>, transform_indices = @transform_11, window_bounds = array<i64: 1, 128>}, {transform_indices = @transform_12, window_bounds = array<i64: 256, 128>}, {pipeline_mode = #tpu.pipeline_mode<synchronous>, transform_indices = @transform_13, window_bounds = array<i64: 64, 128>}]} {
    %get3A = arith.constant 0 : index
    %get3A_0 = arith.constant 0 : index
    %get3A_1 = vector.load %arg1[%get3A, %get3A_0] : memref<256x128xf32, #tpu.memory_space<vmem>>, vector<256x128xf32>
    %get3A_2 = arith.constant 0 : index
    %get3A_3 = arith.constant 0 : index
    %get3A_4 = vector.load %arg2[%get3A_2, %get3A_3] : memref<256x128xf32, #tpu.memory_space<vmem>>, vector<256x128xf32>
    %add3A = arith.addf %get3A_1, %get3A_4 : vector<256x128xf32>
    %get3A_5 = arith.constant 0 : index
    %get3A_6 = arith.constant 0 : index
    %get3A_7 = vector.load %arg3[%get3A_5, %get3A_6] : memref<256x128xf32, #tpu.memory_space<vmem>>, vector<256x128xf32>
    %sub3A = arith.subf %add3A, %get3A_7 : vector<256x128xf32>
    %get3A_8 = arith.constant 0 : index
    %get3A_9 = arith.constant 0 : index
    %get3A_10 = vector.load %arg5[%get3A_8, %get3A_9] : memref<128x256xf32, #tpu.memory_space<vmem>>, vector<128x256xf32>
    %get3A_11 = arith.constant 0 : index
    %get3A_12 = arith.constant 0 : index
    %get3A_13 = vector.load %arg6[%get3A_11, %get3A_12] : memref<1x256xf32, #tpu.memory_space<vmem>>, vector<1x256xf32>
    %get3A_14 = arith.constant 0 : index
    %get3A_15 = arith.constant 0 : index
    %get3A_16 = vector.load %arg7[%get3A_14, %get3A_15] : memref<1x256xf32, #tpu.memory_space<vmem>>, vector<1x256xf32>
    %get3A_17 = arith.constant 0 : index
    %get3A_18 = arith.constant 0 : index
    %get3A_19 = vector.load %arg8[%get3A_17, %get3A_18] : memref<1x256xf32, #tpu.memory_space<vmem>>, vector<1x256xf32>
    %get3A_20 = arith.constant 0 : index
    %get3A_21 = arith.constant 0 : index
    %get3A_22 = vector.load %arg9[%get3A_20, %get3A_21] : memref<256x128xf32, #tpu.memory_space<vmem>>, vector<256x128xf32>
    %get3A_23 = arith.constant 0 : index
    %get3A_24 = arith.constant 0 : index
    %get3A_25 = vector.load %arg10[%get3A_23, %get3A_24] : memref<1x128xf32, #tpu.memory_space<vmem>>, vector<1x128xf32>
    %dot_general3A = arith.constant dense<0.000000e+00> : vector<256x256xf32>
    %dot_general3A_26 = tpu.matmul %sub3A, %get3A_10, %dot_general3A {dimension_numbers = #tpu.dot_dimension_numbers<[1], [0], [0], [1], [0, 0, 1, 1], [], []>, transpose_lhs_hint = false} : vector<256x128xf32>, vector<128x256xf32>, vector<256x256xf32> -> vector<256x256xf32>
    %add3A_27 = vector.broadcast %get3A_13 : vector<1x256xf32> to vector<256x256xf32>
    %add3A_28 = arith.addf %dot_general3A_26, %add3A_27 : vector<256x256xf32>
    %mul3A = vector.broadcast %get3A_16 : vector<1x256xf32> to vector<256x256xf32>
    %mul3A_29 = arith.mulf %add3A_28, %mul3A : vector<256x256xf32>
    %add3A_30 = vector.broadcast %get3A_19 : vector<1x256xf32> to vector<256x256xf32>
    %add3A_31 = arith.addf %mul3A_29, %add3A_30 : vector<256x256xf32>
    %max3A = arith.constant 0.000000e+00 : f32
    %max3A_32 = vector.broadcast %max3A : f32 to vector<256x256xf32>
    %max3A_33 = arith.maximumf %add3A_31, %max3A_32 : vector<256x256xf32>
    %dot_general3A_34 = arith.constant dense<0.000000e+00> : vector<256x128xf32>
    %dot_general3A_35 = tpu.matmul %max3A_33, %get3A_22, %dot_general3A_34 {dimension_numbers = #tpu.dot_dimension_numbers<[1], [0], [0], [1], [0, 0, 1, 1], [], []>, transpose_lhs_hint = false} : vector<256x256xf32>, vector<256x128xf32>, vector<256x128xf32> -> vector<256x128xf32>
    %add3A_36 = vector.broadcast %get3A_25 : vector<1x128xf32> to vector<256x128xf32>
    %add3A_37 = arith.addf %dot_general3A_35, %add3A_36 : vector<256x128xf32>
    %get3A_38 = arith.constant 0 : index
    %get3A_39 = arith.constant 0 : index
    %get3A_40 = vector.load %arg11[%get3A_38, %get3A_39] : memref<1x128xf32, #tpu.memory_space<vmem>>, vector<1x128xf32>
    %mul3A_41 = vector.broadcast %get3A_40 : vector<1x128xf32> to vector<256x128xf32>
    %mul3A_42 = arith.mulf %add3A_37, %mul3A_41 : vector<256x128xf32>
    %get3A_43 = arith.constant 0 : index
    %get3A_44 = arith.constant 0 : index
    %get3A_45 = vector.load %arg12[%get3A_43, %get3A_44] : memref<1x128xf32, #tpu.memory_space<vmem>>, vector<1x128xf32>
    %add3A_46 = vector.broadcast %get3A_45 : vector<1x128xf32> to vector<256x128xf32>
    %add3A_47 = arith.addf %mul3A_42, %add3A_46 : vector<256x128xf32>
    %max3A_48 = arith.constant 0.000000e+00 : f32
    %max3A_49 = vector.broadcast %max3A_48 : f32 to vector<256x128xf32>
    %max3A_50 = arith.maximumf %add3A_47, %max3A_49 : vector<256x128xf32>
    %swap3A = arith.constant 0 : index
    %swap3A_51 = arith.constant 0 : index
    %swap3A_52 = vector.load %arg13[%swap3A, %swap3A_51] : memref<256x128xf32, #tpu.memory_space<vmem>>, vector<256x128xf32>
    tpu.vector_store %arg13[%swap3A, %swap3A_51], %max3A_50 {strides = array<i32>} : memref<256x128xf32, #tpu.memory_space<vmem>>, vector<256x128xf32>,
    %get3A_53 = arith.constant 0 : index
    %get3A_54 = arith.constant 0 : index
    %get3A_55 = arith.constant 0 : index
    %get3A_56 = vector.load %arg4[%get3A_53, %get3A_54, %get3A_55] : memref<1x1x256xi32, #tpu.memory_space<vmem>>, vector<1x1x256xi32>
    %get3A_57 = vector.shape_cast %get3A_56 : vector<1x1x256xi32> to vector<256xi32>
    %reshape3A = vector.shape_cast %get3A_57 : vector<256xi32> to vector<256x1xi32>
    %iota3A = tpu.iota {dimensions = array<i32: 1>} : vector<256x64xi32>
    %eq3A = vector.broadcast %reshape3A : vector<256x1xi32> to vector<256x64xi32>
    %eq3A_58 = arith.cmpi eq, %eq3A, %iota3A : vector<256x64xi32>
    %convert_element_type3A = arith.extui %eq3A_58 : vector<256x64xi1> to vector<256x64xi32>
    %convert_element_type3A_59 = arith.sitofp %convert_element_type3A : vector<256x64xi32> to vector<256x64xf32>
    %eq3A_60 = arith.constant 0 : i32
    %eq3A_61 = arith.cmpi eq, %arg0, %eq3A_60 : i32
    %convert_element_type3A_62 = arith.extui %eq3A_61 : i1 to i32
    %cond3A = arith.constant 0 : i32
    %cond3A_63 = arith.cmpi ne, %convert_element_type3A_62, %cond3A : i32
    scf.if %cond3A_63 {
      %broadcast_in_dim3A = arith.constant 0.000000e+00 : f32
      %broadcast_in_dim3A_73 = vector.broadcast %broadcast_in_dim3A : f32 to vector<64x128xf32>
      %swap3A_74 = arith.constant 0 : index
      %swap3A_75 = arith.constant 0 : index
      %swap3A_76 = vector.load %arg14[%swap3A_74, %swap3A_75] : memref<64x128xf32, #tpu.memory_space<vmem>>, vector<64x128xf32>
      tpu.vector_store %arg14[%swap3A_74, %swap3A_75], %broadcast_in_dim3A_73 {strides = array<i32>} : memref<64x128xf32, #tpu.memory_space<vmem>>, vector<64x128xf32>,
    } else {
    }
    %get3A_64 = arith.constant 0 : index
    %get3A_65 = arith.constant 0 : index
    %get3A_66 = vector.load %arg14[%get3A_64, %get3A_65] : memref<64x128xf32, #tpu.memory_space<vmem>>, vector<64x128xf32>
    %dot_general3A_67 = arith.constant dense<0.000000e+00> : vector<64x128xf32>
    %dot_general3A_68 = tpu.matmul %convert_element_type3A_59, %max3A_50, %dot_general3A_67 {dimension_numbers = #tpu.dot_dimension_numbers<[0], [0], [1], [1], [0, 1, 1, 1], [], []>, transpose_lhs_hint = false} : vector<256x64xf32>, vector<256x128xf32>, vector<64x128xf32> -> vector<64x128xf32>
    %add3A_69 = arith.addf %get3A_66, %dot_general3A_68 : vector<64x128xf32>
    %swap3A_70 = arith.constant 0 : index
    %swap3A_71 = arith.constant 0 : index
    %swap3A_72 = vector.load %arg14[%swap3A_70, %swap3A_71] : memref<64x128xf32, #tpu.memory_space<vmem>>, vector<64x128xf32>
    tpu.vector_store %arg14[%swap3A_70, %swap3A_71], %add3A_69 {strides = array<i32>} : memref<64x128xf32, #tpu.memory_space<vmem>>, vector<64x128xf32>,
    return
  }
  func.func @transform_0(%arg0: i32) -> (i32, i32) {
    %c0_i32 = arith.constant 0 : i32
    %c0_i32_0 = arith.constant 0 : i32
    return %arg0, %c0_i32 : i32, i32
  }
  func.func @transform_1(%arg0: i32) -> (i32, i32) {
    %add3A = arith.constant 40 : i32
    %add3A_0 = arith.addi %add3A, %arg0 : i32
    %c0_i32 = arith.constant 0 : i32
    %c0_i32_1 = arith.constant 0 : i32
    return %add3A_0, %c0_i32 : i32, i32
  }
  func.func @transform_2(%arg0: i32) -> (i32, i32) {
    %c0_i32 = arith.constant 0 : i32
    %c0_i32_0 = arith.constant 0 : i32
    return %arg0, %c0_i32 : i32, i32
  }
  func.func @transform_3(%arg0: i32) -> (i32, i32, i32) {
    %c0_i32 = arith.constant 0 : i32
    %c0_i32_0 = arith.constant 0 : i32
    %c0_i32_1 = arith.constant 0 : i32
    return %arg0, %c0_i32, %c0_i32_0 : i32, i32, i32
  }
  func.func @transform_4(%arg0: i32) -> (i32, i32) {
    %c0_i32 = arith.constant 0 : i32
    %c0_i32_0 = arith.constant 0 : i32
    %c0_i32_1 = arith.constant 0 : i32
    return %c0_i32, %c0_i32_0 : i32, i32
  }
  func.func @transform_5(%arg0: i32) -> (i32, i32) {
    %c0_i32 = arith.constant 0 : i32
    %c0_i32_0 = arith.constant 0 : i32
    %c0_i32_1 = arith.constant 0 : i32
    return %c0_i32, %c0_i32_0 : i32, i32
  }
  func.func @transform_6(%arg0: i32) -> (i32, i32) {
    %c0_i32 = arith.constant 0 : i32
    %c0_i32_0 = arith.constant 0 : i32
    %c0_i32_1 = arith.constant 0 : i32
    return %c0_i32, %c0_i32_0 : i32, i32
  }
  func.func @transform_7(%arg0: i32) -> (i32, i32) {
    %c0_i32 = arith.constant 0 : i32
    %c0_i32_0 = arith.constant 0 : i32
    %c0_i32_1 = arith.constant 0 : i32
    return %c0_i32, %c0_i32_0 : i32, i32
  }
  func.func @transform_8(%arg0: i32) -> (i32, i32) {
    %c0_i32 = arith.constant 0 : i32
    %c0_i32_0 = arith.constant 0 : i32
    %c0_i32_1 = arith.constant 0 : i32
    return %c0_i32, %c0_i32_0 : i32, i32
  }
  func.func @transform_9(%arg0: i32) -> (i32, i32) {
    %c0_i32 = arith.constant 0 : i32
    %c0_i32_0 = arith.constant 0 : i32
    %c0_i32_1 = arith.constant 0 : i32
    return %c0_i32, %c0_i32_0 : i32, i32
  }
  func.func @transform_10(%arg0: i32) -> (i32, i32) {
    %c0_i32 = arith.constant 0 : i32
    %c0_i32_0 = arith.constant 0 : i32
    %c0_i32_1 = arith.constant 0 : i32
    return %c0_i32, %c0_i32_0 : i32, i32
  }
  func.func @transform_11(%arg0: i32) -> (i32, i32) {
    %c0_i32 = arith.constant 0 : i32
    %c0_i32_0 = arith.constant 0 : i32
    %c0_i32_1 = arith.constant 0 : i32
    return %c0_i32, %c0_i32_0 : i32, i32
  }
  func.func @transform_12(%arg0: i32) -> (i32, i32) {
    %c0_i32 = arith.constant 0 : i32
    %c0_i32_0 = arith.constant 0 : i32
    return %arg0, %c0_i32 : i32, i32
  }
  func.func @transform_13(%arg0: i32) -> (i32, i32) {
    %c0_i32 = arith.constant 0 : i32
    %c0_i32_0 = arith.constant 0 : i32
    %c0_i32_1 = arith.constant 0 : i32
    return %c0_i32, %c0_i32_0 : i32, i32
  }
}

module attributes {stable_mosaic.version = 14 : i64} {
  func.func @body(%arg0: i32, %arg1: memref<256x128xf32, #tpu.memory_space<vmem>>, %arg2: memref<1x1x256xi32, #tpu.memory_space<vmem>>, %arg3: memref<64x128xf32, #tpu.memory_space<vmem>>, %arg4: memref<1x128xf32, #tpu.memory_space<vmem>>, %arg5: memref<128x256xf32, #tpu.memory_space<vmem>>, %arg6: memref<1x256xf32, #tpu.memory_space<vmem>>, %arg7: memref<1x256xf32, #tpu.memory_space<vmem>>, %arg8: memref<1x256xf32, #tpu.memory_space<vmem>>, %arg9: memref<256x128xf32, #tpu.memory_space<vmem>>, %arg10: memref<1x128xf32, #tpu.memory_space<vmem>>, %arg11: memref<1x128xf32, #tpu.memory_space<vmem>>, %arg12: memref<1x128xf32, #tpu.memory_space<vmem>>, %arg13: memref<256x128xf32, #tpu.memory_space<vmem>>, %arg14: memref<64x128xf32, #tpu.memory_space<vmem>>) attributes {dimension_semantics = [#tpu.dimension_semantics<arbitrary>], iteration_bounds = array<i64: 40>, scalar_prefetch = 0 : i64, scratch_operands = 1 : i64, tpu.core_type = #tpu.core_type<tc>, window_params = [{transform_indices = @transform_0, window_bounds = array<i64: 256, 128>}, {transform_indices = @transform_1, window_bounds = array<i64: 1, 1, 256>}, {pipeline_mode = #tpu.pipeline_mode<synchronous>, transform_indices = @transform_2, window_bounds = array<i64: 64, 128>}, {pipeline_mode = #tpu.pipeline_mode<synchronous>, transform_indices = @transform_3, window_bounds = array<i64: 1, 128>}, {pipeline_mode = #tpu.pipeline_mode<synchronous>, transform_indices = @transform_4, window_bounds = array<i64: 128, 256>}, {pipeline_mode = #tpu.pipeline_mode<synchronous>, transform_indices = @transform_5, window_bounds = array<i64: 1, 256>}, {pipeline_mode = #tpu.pipeline_mode<synchronous>, transform_indices = @transform_6, window_bounds = array<i64: 1, 256>}, {pipeline_mode = #tpu.pipeline_mode<synchronous>, transform_indices = @transform_7, window_bounds = array<i64: 1, 256>}, {pipeline_mode = #tpu.pipeline_mode<synchronous>, transform_indices = @transform_8, window_bounds = array<i64: 256, 128>}, {pipeline_mode = #tpu.pipeline_mode<synchronous>, transform_indices = @transform_9, window_bounds = array<i64: 1, 128>}, {pipeline_mode = #tpu.pipeline_mode<synchronous>, transform_indices = @transform_10, window_bounds = array<i64: 1, 128>}, {pipeline_mode = #tpu.pipeline_mode<synchronous>, transform_indices = @transform_11, window_bounds = array<i64: 1, 128>}, {transform_indices = @transform_12, window_bounds = array<i64: 256, 128>}]} {
    %eq3A = arith.constant 0 : i32
    %eq3A_0 = arith.cmpi eq, %arg0, %eq3A : i32
    %convert_element_type3A = arith.extui %eq3A_0 : i1 to i32
    %cond3A = arith.constant 0 : i32
    %cond3A_1 = arith.cmpi ne, %convert_element_type3A, %cond3A : i32
    scf.if %cond3A_1 {
      %get3A_19 = arith.constant 0 : index
      %get3A_20 = arith.constant 0 : index
      %get3A_21 = vector.load %arg3[%get3A_19, %get3A_20] : memref<64x128xf32, #tpu.memory_space<vmem>>, vector<64x128xf32>
      %get3A_22 = arith.constant 0 : index
      %get3A_23 = arith.constant 0 : index
      %get3A_24 = vector.load %arg4[%get3A_22, %get3A_23] : memref<1x128xf32, #tpu.memory_space<vmem>>, vector<1x128xf32>
      %add3A_25 = vector.broadcast %get3A_24 : vector<1x128xf32> to vector<64x128xf32>
      %add3A_26 = arith.addf %get3A_21, %add3A_25 : vector<64x128xf32>
      %get3A_27 = arith.constant 0 : index
      %get3A_28 = arith.constant 0 : index
      %get3A_29 = vector.load %arg5[%get3A_27, %get3A_28] : memref<128x256xf32, #tpu.memory_space<vmem>>, vector<128x256xf32>
      %dot_general3A_30 = arith.constant dense<0.000000e+00> : vector<64x256xf32>
      %dot_general3A_31 = tpu.matmul %add3A_26, %get3A_29, %dot_general3A_30 {dimension_numbers = #tpu.dot_dimension_numbers<[1], [0], [0], [1], [0, 0, 1, 1], [], []>, transpose_lhs_hint = false} : vector<64x128xf32>, vector<128x256xf32>, vector<64x256xf32> -> vector<64x256xf32>
      %get3A_32 = arith.constant 0 : index
      %get3A_33 = arith.constant 0 : index
      %get3A_34 = vector.load %arg6[%get3A_32, %get3A_33] : memref<1x256xf32, #tpu.memory_space<vmem>>, vector<1x256xf32>
      %add3A_35 = vector.broadcast %get3A_34 : vector<1x256xf32> to vector<64x256xf32>
      %add3A_36 = arith.addf %dot_general3A_31, %add3A_35 : vector<64x256xf32>
      %get3A_37 = arith.constant 0 : index
      %get3A_38 = arith.constant 0 : index
      %get3A_39 = vector.load %arg7[%get3A_37, %get3A_38] : memref<1x256xf32, #tpu.memory_space<vmem>>, vector<1x256xf32>
      %mul3A = vector.broadcast %get3A_39 : vector<1x256xf32> to vector<64x256xf32>
      %mul3A_40 = arith.mulf %add3A_36, %mul3A : vector<64x256xf32>
      %get3A_41 = arith.constant 0 : index
      %get3A_42 = arith.constant 0 : index
      %get3A_43 = vector.load %arg8[%get3A_41, %get3A_42] : memref<1x256xf32, #tpu.memory_space<vmem>>, vector<1x256xf32>
      %add3A_44 = vector.broadcast %get3A_43 : vector<1x256xf32> to vector<64x256xf32>
      %add3A_45 = arith.addf %mul3A_40, %add3A_44 : vector<64x256xf32>
      %max3A = arith.constant 0.000000e+00 : f32
      %max3A_46 = vector.broadcast %max3A : f32 to vector<64x256xf32>
      %max3A_47 = arith.maximumf %add3A_45, %max3A_46 : vector<64x256xf32>
      %get3A_48 = arith.constant 0 : index
      %get3A_49 = arith.constant 0 : index
      %get3A_50 = vector.load %arg9[%get3A_48, %get3A_49] : memref<256x128xf32, #tpu.memory_space<vmem>>, vector<256x128xf32>
      %dot_general3A_51 = arith.constant dense<0.000000e+00> : vector<64x128xf32>
      %dot_general3A_52 = tpu.matmul %max3A_47, %get3A_50, %dot_general3A_51 {dimension_numbers = #tpu.dot_dimension_numbers<[1], [0], [0], [1], [0, 0, 1, 1], [], []>, transpose_lhs_hint = false} : vector<64x256xf32>, vector<256x128xf32>, vector<64x128xf32> -> vector<64x128xf32>
      %get3A_53 = arith.constant 0 : index
      %get3A_54 = arith.constant 0 : index
      %get3A_55 = vector.load %arg10[%get3A_53, %get3A_54] : memref<1x128xf32, #tpu.memory_space<vmem>>, vector<1x128xf32>
      %add3A_56 = vector.broadcast %get3A_55 : vector<1x128xf32> to vector<64x128xf32>
      %add3A_57 = arith.addf %dot_general3A_52, %add3A_56 : vector<64x128xf32>
      %get3A_58 = arith.constant 0 : index
      %get3A_59 = arith.constant 0 : index
      %get3A_60 = vector.load %arg11[%get3A_58, %get3A_59] : memref<1x128xf32, #tpu.memory_space<vmem>>, vector<1x128xf32>
      %mul3A_61 = vector.broadcast %get3A_60 : vector<1x128xf32> to vector<64x128xf32>
      %mul3A_62 = arith.mulf %add3A_57, %mul3A_61 : vector<64x128xf32>
      %get3A_63 = arith.constant 0 : index
      %get3A_64 = arith.constant 0 : index
      %get3A_65 = vector.load %arg12[%get3A_63, %get3A_64] : memref<1x128xf32, #tpu.memory_space<vmem>>, vector<1x128xf32>
      %add3A_66 = vector.broadcast %get3A_65 : vector<1x128xf32> to vector<64x128xf32>
      %add3A_67 = arith.addf %mul3A_62, %add3A_66 : vector<64x128xf32>
      %max3A_68 = arith.constant 0.000000e+00 : f32
      %max3A_69 = vector.broadcast %max3A_68 : f32 to vector<64x128xf32>
      %max3A_70 = arith.maximumf %add3A_67, %max3A_69 : vector<64x128xf32>
      %swap3A_71 = arith.constant 0 : index
      %swap3A_72 = arith.constant 0 : index
      %swap3A_73 = vector.load %arg14[%swap3A_71, %swap3A_72] : memref<64x128xf32, #tpu.memory_space<vmem>>, vector<64x128xf32>
      tpu.vector_store %arg14[%swap3A_71, %swap3A_72], %max3A_70 {strides = array<i32>} : memref<64x128xf32, #tpu.memory_space<vmem>>, vector<64x128xf32>,
    } else {
    }
    %get3A = arith.constant 0 : index
    %get3A_2 = arith.constant 0 : index
    %get3A_3 = arith.constant 0 : index
    %get3A_4 = vector.load %arg2[%get3A, %get3A_2, %get3A_3] : memref<1x1x256xi32, #tpu.memory_space<vmem>>, vector<1x1x256xi32>
    %get3A_5 = vector.shape_cast %get3A_4 : vector<1x1x256xi32> to vector<256xi32>
    %reshape3A = vector.shape_cast %get3A_5 : vector<256xi32> to vector<256x1xi32>
    %iota3A = tpu.iota {dimensions = array<i32: 1>} : vector<256x64xi32>
    %eq3A_6 = vector.broadcast %reshape3A : vector<256x1xi32> to vector<256x64xi32>
    %eq3A_7 = arith.cmpi eq, %eq3A_6, %iota3A : vector<256x64xi32>
    %convert_element_type3A_8 = arith.extui %eq3A_7 : vector<256x64xi1> to vector<256x64xi32>
    %convert_element_type3A_9 = arith.sitofp %convert_element_type3A_8 : vector<256x64xi32> to vector<256x64xf32>
    %get3A_10 = arith.constant 0 : index
    %get3A_11 = arith.constant 0 : index
    %get3A_12 = vector.load %arg1[%get3A_10, %get3A_11] : memref<256x128xf32, #tpu.memory_space<vmem>>, vector<256x128xf32>
    %get3A_13 = arith.constant 0 : index
    %get3A_14 = arith.constant 0 : index
    %get3A_15 = vector.load %arg14[%get3A_13, %get3A_14] : memref<64x128xf32, #tpu.memory_space<vmem>>, vector<64x128xf32>
    %dot_general3A = arith.constant dense<0.000000e+00> : vector<256x128xf32>
    %dot_general3A_16 = tpu.matmul %convert_element_type3A_9, %get3A_15, %dot_general3A {dimension_numbers = #tpu.dot_dimension_numbers<[1], [0], [0], [1], [0, 0, 1, 1], [], []>, transpose_lhs_hint = false} : vector<256x64xf32>, vector<64x128xf32>, vector<256x128xf32> -> vector<256x128xf32>
    %add3A = arith.addf %get3A_12, %dot_general3A_16 : vector<256x128xf32>
    %swap3A = arith.constant 0 : index
    %swap3A_17 = arith.constant 0 : index
    %swap3A_18 = vector.load %arg13[%swap3A, %swap3A_17] : memref<256x128xf32, #tpu.memory_space<vmem>>, vector<256x128xf32>
    tpu.vector_store %arg13[%swap3A, %swap3A_17], %add3A {strides = array<i32>} : memref<256x128xf32, #tpu.memory_space<vmem>>, vector<256x128xf32>,
    return
  }
  func.func @transform_0(%arg0: i32) -> (i32, i32) {
    %c0_i32 = arith.constant 0 : i32
    %c0_i32_0 = arith.constant 0 : i32
    return %arg0, %c0_i32 : i32, i32
  }
  func.func @transform_1(%arg0: i32) -> (i32, i32, i32) {
    %c0_i32 = arith.constant 0 : i32
    %c0_i32_0 = arith.constant 0 : i32
    %c0_i32_1 = arith.constant 0 : i32
    return %arg0, %c0_i32, %c0_i32_0 : i32, i32, i32
  }
  func.func @transform_2(%arg0: i32) -> (i32, i32) {
    %c0_i32 = arith.constant 0 : i32
    %c0_i32_0 = arith.constant 0 : i32
    %c0_i32_1 = arith.constant 0 : i32
    return %c0_i32, %c0_i32_0 : i32, i32
  }
  func.func @transform_3(%arg0: i32) -> (i32, i32) {
    %c0_i32 = arith.constant 0 : i32
    %c0_i32_0 = arith.constant 0 : i32
    %c0_i32_1 = arith.constant 0 : i32
    return %c0_i32, %c0_i32_0 : i32, i32
  }
  func.func @transform_4(%arg0: i32) -> (i32, i32) {
    %c0_i32 = arith.constant 0 : i32
    %c0_i32_0 = arith.constant 0 : i32
    %c0_i32_1 = arith.constant 0 : i32
    return %c0_i32, %c0_i32_0 : i32, i32
  }
  func.func @transform_5(%arg0: i32) -> (i32, i32) {
    %c0_i32 = arith.constant 0 : i32
    %c0_i32_0 = arith.constant 0 : i32
    %c0_i32_1 = arith.constant 0 : i32
    return %c0_i32, %c0_i32_0 : i32, i32
  }
  func.func @transform_6(%arg0: i32) -> (i32, i32) {
    %c0_i32 = arith.constant 0 : i32
    %c0_i32_0 = arith.constant 0 : i32
    %c0_i32_1 = arith.constant 0 : i32
    return %c0_i32, %c0_i32_0 : i32, i32
  }
  func.func @transform_7(%arg0: i32) -> (i32, i32) {
    %c0_i32 = arith.constant 0 : i32
    %c0_i32_0 = arith.constant 0 : i32
    %c0_i32_1 = arith.constant 0 : i32
    return %c0_i32, %c0_i32_0 : i32, i32
  }
  func.func @transform_8(%arg0: i32) -> (i32, i32) {
    %c0_i32 = arith.constant 0 : i32
    %c0_i32_0 = arith.constant 0 : i32
    %c0_i32_1 = arith.constant 0 : i32
    return %c0_i32, %c0_i32_0 : i32, i32
  }
  func.func @transform_9(%arg0: i32) -> (i32, i32) {
    %c0_i32 = arith.constant 0 : i32
    %c0_i32_0 = arith.constant 0 : i32
    %c0_i32_1 = arith.constant 0 : i32
    return %c0_i32, %c0_i32_0 : i32, i32
  }
  func.func @transform_10(%arg0: i32) -> (i32, i32) {
    %c0_i32 = arith.constant 0 : i32
    %c0_i32_0 = arith.constant 0 : i32
    %c0_i32_1 = arith.constant 0 : i32
    return %c0_i32, %c0_i32_0 : i32, i32
  }
  func.func @transform_11(%arg0: i32) -> (i32, i32) {
    %c0_i32 = arith.constant 0 : i32
    %c0_i32_0 = arith.constant 0 : i32
    %c0_i32_1 = arith.constant 0 : i32
    return %c0_i32, %c0_i32_0 : i32, i32
  }
  func.func @transform_12(%arg0: i32) -> (i32, i32) {
    %c0_i32 = arith.constant 0 : i32
    %c0_i32_0 = arith.constant 0 : i32
    return %arg0, %c0_i32 : i32, i32
  }
}

module attributes {stable_mosaic.version = 14 : i64} {
  func.func @body(%arg0: i32, %arg1: memref<256x128xf32, #tpu.memory_space<vmem>>, %arg2: memref<256x128xf32, #tpu.memory_space<vmem>>, %arg3: memref<256x128xf32, #tpu.memory_space<vmem>>, %arg4: memref<1x1x256xi32, #tpu.memory_space<vmem>>, %arg5: memref<128x256xf32, #tpu.memory_space<vmem>>, %arg6: memref<1x256xf32, #tpu.memory_space<vmem>>, %arg7: memref<1x256xf32, #tpu.memory_space<vmem>>, %arg8: memref<1x256xf32, #tpu.memory_space<vmem>>, %arg9: memref<256x128xf32, #tpu.memory_space<vmem>>, %arg10: memref<1x128xf32, #tpu.memory_space<vmem>>, %arg11: memref<1x128xf32, #tpu.memory_space<vmem>>, %arg12: memref<1x128xf32, #tpu.memory_space<vmem>>, %arg13: memref<128x10xf32, #tpu.memory_space<vmem>>, %arg14: memref<1x10xf32, #tpu.memory_space<vmem>>, %arg15: memref<64x10xf32, #tpu.memory_space<vmem>>, %arg16: memref<64x128xf32, #tpu.memory_space<vmem>>, %arg17: memref<64x1xf32, #tpu.memory_space<vmem>>) attributes {dimension_semantics = [#tpu.dimension_semantics<arbitrary>], iteration_bounds = array<i64: 40>, scalar_prefetch = 0 : i64, scratch_operands = 2 : i64, tpu.core_type = #tpu.core_type<tc>, window_params = [{transform_indices = @transform_0, window_bounds = array<i64: 256, 128>}, {transform_indices = @transform_1, window_bounds = array<i64: 256, 128>}, {transform_indices = @transform_2, window_bounds = array<i64: 256, 128>}, {transform_indices = @transform_3, window_bounds = array<i64: 1, 1, 256>}, {pipeline_mode = #tpu.pipeline_mode<synchronous>, transform_indices = @transform_4, window_bounds = array<i64: 128, 256>}, {pipeline_mode = #tpu.pipeline_mode<synchronous>, transform_indices = @transform_5, window_bounds = array<i64: 1, 256>}, {pipeline_mode = #tpu.pipeline_mode<synchronous>, transform_indices = @transform_6, window_bounds = array<i64: 1, 256>}, {pipeline_mode = #tpu.pipeline_mode<synchronous>, transform_indices = @transform_7, window_bounds = array<i64: 1, 256>}, {pipeline_mode = #tpu.pipeline_mode<synchronous>, transform_indices = @transform_8, window_bounds = array<i64: 256, 128>}, {pipeline_mode = #tpu.pipeline_mode<synchronous>, transform_indices = @transform_9, window_bounds = array<i64: 1, 128>}, {pipeline_mode = #tpu.pipeline_mode<synchronous>, transform_indices = @transform_10, window_bounds = array<i64: 1, 128>}, {pipeline_mode = #tpu.pipeline_mode<synchronous>, transform_indices = @transform_11, window_bounds = array<i64: 1, 128>}, {pipeline_mode = #tpu.pipeline_mode<synchronous>, transform_indices = @transform_12, window_bounds = array<i64: 128, 10>}, {pipeline_mode = #tpu.pipeline_mode<synchronous>, transform_indices = @transform_13, window_bounds = array<i64: 1, 10>}, {pipeline_mode = #tpu.pipeline_mode<synchronous>, transform_indices = @transform_14, window_bounds = array<i64: 64, 10>}]} {
    %get3A = arith.constant 0 : index
    %get3A_0 = arith.constant 0 : index
    %get3A_1 = vector.load %arg1[%get3A, %get3A_0] : memref<256x128xf32, #tpu.memory_space<vmem>>, vector<256x128xf32>
    %get3A_2 = arith.constant 0 : index
    %get3A_3 = arith.constant 0 : index
    %get3A_4 = vector.load %arg2[%get3A_2, %get3A_3] : memref<256x128xf32, #tpu.memory_space<vmem>>, vector<256x128xf32>
    %add3A = arith.addf %get3A_1, %get3A_4 : vector<256x128xf32>
    %get3A_5 = arith.constant 0 : index
    %get3A_6 = arith.constant 0 : index
    %get3A_7 = vector.load %arg3[%get3A_5, %get3A_6] : memref<256x128xf32, #tpu.memory_space<vmem>>, vector<256x128xf32>
    %sub3A = arith.subf %add3A, %get3A_7 : vector<256x128xf32>
    %get3A_8 = arith.constant 0 : index
    %get3A_9 = arith.constant 0 : index
    %get3A_10 = vector.load %arg5[%get3A_8, %get3A_9] : memref<128x256xf32, #tpu.memory_space<vmem>>, vector<128x256xf32>
    %get3A_11 = arith.constant 0 : index
    %get3A_12 = arith.constant 0 : index
    %get3A_13 = vector.load %arg6[%get3A_11, %get3A_12] : memref<1x256xf32, #tpu.memory_space<vmem>>, vector<1x256xf32>
    %get3A_14 = arith.constant 0 : index
    %get3A_15 = arith.constant 0 : index
    %get3A_16 = vector.load %arg7[%get3A_14, %get3A_15] : memref<1x256xf32, #tpu.memory_space<vmem>>, vector<1x256xf32>
    %get3A_17 = arith.constant 0 : index
    %get3A_18 = arith.constant 0 : index
    %get3A_19 = vector.load %arg8[%get3A_17, %get3A_18] : memref<1x256xf32, #tpu.memory_space<vmem>>, vector<1x256xf32>
    %get3A_20 = arith.constant 0 : index
    %get3A_21 = arith.constant 0 : index
    %get3A_22 = vector.load %arg9[%get3A_20, %get3A_21] : memref<256x128xf32, #tpu.memory_space<vmem>>, vector<256x128xf32>
    %get3A_23 = arith.constant 0 : index
    %get3A_24 = arith.constant 0 : index
    %get3A_25 = vector.load %arg10[%get3A_23, %get3A_24] : memref<1x128xf32, #tpu.memory_space<vmem>>, vector<1x128xf32>
    %dot_general3A = arith.constant dense<0.000000e+00> : vector<256x256xf32>
    %dot_general3A_26 = tpu.matmul %sub3A, %get3A_10, %dot_general3A {dimension_numbers = #tpu.dot_dimension_numbers<[1], [0], [0], [1], [0, 0, 1, 1], [], []>, transpose_lhs_hint = false} : vector<256x128xf32>, vector<128x256xf32>, vector<256x256xf32> -> vector<256x256xf32>
    %add3A_27 = vector.broadcast %get3A_13 : vector<1x256xf32> to vector<256x256xf32>
    %add3A_28 = arith.addf %dot_general3A_26, %add3A_27 : vector<256x256xf32>
    %mul3A = vector.broadcast %get3A_16 : vector<1x256xf32> to vector<256x256xf32>
    %mul3A_29 = arith.mulf %add3A_28, %mul3A : vector<256x256xf32>
    %add3A_30 = vector.broadcast %get3A_19 : vector<1x256xf32> to vector<256x256xf32>
    %add3A_31 = arith.addf %mul3A_29, %add3A_30 : vector<256x256xf32>
    %max3A = arith.constant 0.000000e+00 : f32
    %max3A_32 = vector.broadcast %max3A : f32 to vector<256x256xf32>
    %max3A_33 = arith.maximumf %add3A_31, %max3A_32 : vector<256x256xf32>
    %dot_general3A_34 = arith.constant dense<0.000000e+00> : vector<256x128xf32>
    %dot_general3A_35 = tpu.matmul %max3A_33, %get3A_22, %dot_general3A_34 {dimension_numbers = #tpu.dot_dimension_numbers<[1], [0], [0], [1], [0, 0, 1, 1], [], []>, transpose_lhs_hint = false} : vector<256x256xf32>, vector<256x128xf32>, vector<256x128xf32> -> vector<256x128xf32>
    %add3A_36 = vector.broadcast %get3A_25 : vector<1x128xf32> to vector<256x128xf32>
    %add3A_37 = arith.addf %dot_general3A_35, %add3A_36 : vector<256x128xf32>
    %get3A_38 = arith.constant 0 : index
    %get3A_39 = arith.constant 0 : index
    %get3A_40 = vector.load %arg11[%get3A_38, %get3A_39] : memref<1x128xf32, #tpu.memory_space<vmem>>, vector<1x128xf32>
    %mul3A_41 = vector.broadcast %get3A_40 : vector<1x128xf32> to vector<256x128xf32>
    %mul3A_42 = arith.mulf %add3A_37, %mul3A_41 : vector<256x128xf32>
    %get3A_43 = arith.constant 0 : index
    %get3A_44 = arith.constant 0 : index
    %get3A_45 = vector.load %arg12[%get3A_43, %get3A_44] : memref<1x128xf32, #tpu.memory_space<vmem>>, vector<1x128xf32>
    %add3A_46 = vector.broadcast %get3A_45 : vector<1x128xf32> to vector<256x128xf32>
    %add3A_47 = arith.addf %mul3A_42, %add3A_46 : vector<256x128xf32>
    %get3A_48 = arith.constant 0 : index
    %get3A_49 = arith.constant 0 : index
    %get3A_50 = arith.constant 0 : index
    %get3A_51 = vector.load %arg4[%get3A_48, %get3A_49, %get3A_50] : memref<1x1x256xi32, #tpu.memory_space<vmem>>, vector<1x1x256xi32>
    %get3A_52 = vector.shape_cast %get3A_51 : vector<1x1x256xi32> to vector<256xi32>
    %reshape3A = vector.shape_cast %get3A_52 : vector<256xi32> to vector<256x1xi32>
    %iota3A = tpu.iota {dimensions = array<i32: 1>} : vector<256x64xi32>
    %eq3A = vector.broadcast %reshape3A : vector<256x1xi32> to vector<256x64xi32>
    %eq3A_53 = arith.cmpi eq, %eq3A, %iota3A : vector<256x64xi32>
    %convert_element_type3A = arith.extui %eq3A_53 : vector<256x64xi1> to vector<256x64xi32>
    %convert_element_type3A_54 = arith.sitofp %convert_element_type3A : vector<256x64xi32> to vector<256x64xf32>
    %eq3A_55 = arith.constant 0 : i32
    %eq3A_56 = arith.cmpi eq, %arg0, %eq3A_55 : i32
    %convert_element_type3A_57 = arith.extui %eq3A_56 : i1 to i32
    %cond3A = arith.constant 0 : i32
    %cond3A_58 = arith.cmpi ne, %convert_element_type3A_57, %cond3A : i32
    scf.if %cond3A_58 {
      %broadcast_in_dim3A = arith.constant 0.000000e+00 : f32
      %broadcast_in_dim3A_81 = vector.broadcast %broadcast_in_dim3A : f32 to vector<64x128xf32>
      %swap3A_82 = arith.constant 0 : index
      %swap3A_83 = arith.constant 0 : index
      %swap3A_84 = vector.load %arg16[%swap3A_82, %swap3A_83] : memref<64x128xf32, #tpu.memory_space<vmem>>, vector<64x128xf32>
      tpu.vector_store %arg16[%swap3A_82, %swap3A_83], %broadcast_in_dim3A_81 {strides = array<i32>} : memref<64x128xf32, #tpu.memory_space<vmem>>, vector<64x128xf32>,
      %broadcast_in_dim3A_85 = arith.constant 0.000000e+00 : f32
      %broadcast_in_dim3A_86 = vector.broadcast %broadcast_in_dim3A_85 : f32 to vector<64x1xf32>
      %swap3A_87 = arith.constant 0 : index
      %swap3A_88 = arith.constant 0 : index
      %swap3A_89 = vector.load %arg17[%swap3A_87, %swap3A_88] : memref<64x1xf32, #tpu.memory_space<vmem>>, vector<64x1xf32>
      tpu.vector_store %arg17[%swap3A_87, %swap3A_88], %broadcast_in_dim3A_86 {strides = array<i32>} : memref<64x1xf32, #tpu.memory_space<vmem>>, vector<64x1xf32>,
    } else {
    }
    %get3A_59 = arith.constant 0 : index
    %get3A_60 = arith.constant 0 : index
    %get3A_61 = vector.load %arg16[%get3A_59, %get3A_60] : memref<64x128xf32, #tpu.memory_space<vmem>>, vector<64x128xf32>
    %dot_general3A_62 = arith.constant dense<0.000000e+00> : vector<64x128xf32>
    %dot_general3A_63 = tpu.matmul %convert_element_type3A_54, %add3A_47, %dot_general3A_62 {dimension_numbers = #tpu.dot_dimension_numbers<[0], [0], [1], [1], [0, 1, 1, 1], [], []>, transpose_lhs_hint = false} : vector<256x64xf32>, vector<256x128xf32>, vector<64x128xf32> -> vector<64x128xf32>
    %add3A_64 = arith.addf %get3A_61, %dot_general3A_63 : vector<64x128xf32>
    %swap3A = arith.constant 0 : index
    %swap3A_65 = arith.constant 0 : index
    %swap3A_66 = vector.load %arg16[%swap3A, %swap3A_65] : memref<64x128xf32, #tpu.memory_space<vmem>>, vector<64x128xf32>
    tpu.vector_store %arg16[%swap3A, %swap3A_65], %add3A_64 {strides = array<i32>} : memref<64x128xf32, #tpu.memory_space<vmem>>, vector<64x128xf32>,
    %get3A_67 = arith.constant 0 : index
    %get3A_68 = arith.constant 0 : index
    %get3A_69 = vector.load %arg17[%get3A_67, %get3A_68] : memref<64x1xf32, #tpu.memory_space<vmem>>, vector<64x1xf32>
    %reduce_sum3A = arith.constant dense<0.000000e+00> : vector<64xf32>
    %reduce_sum3A_70 = vector.multi_reduction <add>, %convert_element_type3A_54, %reduce_sum3A [0] : vector<256x64xf32> to vector<64xf32>
    %reshape3A_71 = vector.shape_cast %reduce_sum3A_70 : vector<64xf32> to vector<64x1xf32>
    %add3A_72 = arith.addf %get3A_69, %reshape3A_71 : vector<64x1xf32>
    %swap3A_73 = arith.constant 0 : index
    %swap3A_74 = arith.constant 0 : index
    %swap3A_75 = vector.load %arg17[%swap3A_73, %swap3A_74] : memref<64x1xf32, #tpu.memory_space<vmem>>, vector<64x1xf32>
    tpu.vector_store %arg17[%swap3A_73, %swap3A_74], %add3A_72 {strides = array<i32>} : memref<64x1xf32, #tpu.memory_space<vmem>>, vector<64x1xf32>,
    %eq3A_76 = arith.constant 39 : i32
    %eq3A_77 = arith.cmpi eq, %arg0, %eq3A_76 : i32
    %convert_element_type3A_78 = arith.extui %eq3A_77 : i1 to i32
    %cond3A_79 = arith.constant 0 : i32
    %cond3A_80 = arith.cmpi ne, %convert_element_type3A_78, %cond3A_79 : i32
    scf.if %cond3A_80 {
      %get3A_81 = arith.constant 0 : index
      %get3A_82 = arith.constant 0 : index
      %get3A_83 = vector.load %arg16[%get3A_81, %get3A_82] : memref<64x128xf32, #tpu.memory_space<vmem>>, vector<64x128xf32>
      %get3A_84 = arith.constant 0 : index
      %get3A_85 = arith.constant 0 : index
      %get3A_86 = vector.load %arg17[%get3A_84, %get3A_85] : memref<64x1xf32, #tpu.memory_space<vmem>>, vector<64x1xf32>
      %max3A_87 = arith.constant 1.000000e+00 : f32
      %max3A_88 = vector.broadcast %max3A_87 : f32 to vector<64x1xf32>
      %max3A_89 = arith.maximumf %get3A_86, %max3A_88 : vector<64x1xf32>
      %div3A = vector.broadcast %max3A_89 : vector<64x1xf32> to vector<64x128xf32>
      %div3A_90 = arith.divf %get3A_83, %div3A : vector<64x128xf32>
      %get3A_91 = arith.constant 0 : index
      %get3A_92 = arith.constant 0 : index
      %get3A_93 = vector.load %arg13[%get3A_91, %get3A_92] : memref<128x10xf32, #tpu.memory_space<vmem>>, vector<128x10xf32>
      %dot_general3A_94 = arith.constant dense<0.000000e+00> : vector<64x10xf32>
      %dot_general3A_95 = tpu.matmul %div3A_90, %get3A_93, %dot_general3A_94 {dimension_numbers = #tpu.dot_dimension_numbers<[1], [0], [0], [1], [0, 0, 1, 1], [], []>, transpose_lhs_hint = false} : vector<64x128xf32>, vector<128x10xf32>, vector<64x10xf32> -> vector<64x10xf32>
      %get3A_96 = arith.constant 0 : index
      %get3A_97 = arith.constant 0 : index
      %get3A_98 = vector.load %arg14[%get3A_96, %get3A_97] : memref<1x10xf32, #tpu.memory_space<vmem>>, vector<1x10xf32>
      %add3A_99 = vector.broadcast %get3A_98 : vector<1x10xf32> to vector<64x10xf32>
      %add3A_100 = arith.addf %dot_general3A_95, %add3A_99 : vector<64x10xf32>
      %swap3A_101 = arith.constant 0 : index
      %swap3A_102 = arith.constant 0 : index
      %swap3A_103 = vector.load %arg15[%swap3A_101, %swap3A_102] : memref<64x10xf32, #tpu.memory_space<vmem>>, vector<64x10xf32>
      tpu.vector_store %arg15[%swap3A_101, %swap3A_102], %add3A_100 {strides = array<i32>} : memref<64x10xf32, #tpu.memory_space<vmem>>, vector<64x10xf32>,
    } else {
    }
    return
  }
  func.func @transform_0(%arg0: i32) -> (i32, i32) {
    %c0_i32 = arith.constant 0 : i32
    %c0_i32_0 = arith.constant 0 : i32
    return %arg0, %c0_i32 : i32, i32
  }
  func.func @transform_1(%arg0: i32) -> (i32, i32) {
    %add3A = arith.constant 40 : i32
    %add3A_0 = arith.addi %add3A, %arg0 : i32
    %c0_i32 = arith.constant 0 : i32
    %c0_i32_1 = arith.constant 0 : i32
    return %add3A_0, %c0_i32 : i32, i32
  }
  func.func @transform_2(%arg0: i32) -> (i32, i32) {
    %c0_i32 = arith.constant 0 : i32
    %c0_i32_0 = arith.constant 0 : i32
    return %arg0, %c0_i32 : i32, i32
  }
  func.func @transform_3(%arg0: i32) -> (i32, i32, i32) {
    %c0_i32 = arith.constant 0 : i32
    %c0_i32_0 = arith.constant 0 : i32
    %c0_i32_1 = arith.constant 0 : i32
    return %arg0, %c0_i32, %c0_i32_0 : i32, i32, i32
  }
  func.func @transform_4(%arg0: i32) -> (i32, i32) {
    %c0_i32 = arith.constant 0 : i32
    %c0_i32_0 = arith.constant 0 : i32
    %c0_i32_1 = arith.constant 0 : i32
    return %c0_i32, %c0_i32_0 : i32, i32
  }
  func.func @transform_5(%arg0: i32) -> (i32, i32) {
    %c0_i32 = arith.constant 0 : i32
    %c0_i32_0 = arith.constant 0 : i32
    %c0_i32_1 = arith.constant 0 : i32
    return %c0_i32, %c0_i32_0 : i32, i32
  }
  func.func @transform_6(%arg0: i32) -> (i32, i32) {
    %c0_i32 = arith.constant 0 : i32
    %c0_i32_0 = arith.constant 0 : i32
    %c0_i32_1 = arith.constant 0 : i32
    return %c0_i32, %c0_i32_0 : i32, i32
  }
  func.func @transform_7(%arg0: i32) -> (i32, i32) {
    %c0_i32 = arith.constant 0 : i32
    %c0_i32_0 = arith.constant 0 : i32
    %c0_i32_1 = arith.constant 0 : i32
    return %c0_i32, %c0_i32_0 : i32, i32
  }
  func.func @transform_8(%arg0: i32) -> (i32, i32) {
    %c0_i32 = arith.constant 0 : i32
    %c0_i32_0 = arith.constant 0 : i32
    %c0_i32_1 = arith.constant 0 : i32
    return %c0_i32, %c0_i32_0 : i32, i32
  }
  func.func @transform_9(%arg0: i32) -> (i32, i32) {
    %c0_i32 = arith.constant 0 : i32
    %c0_i32_0 = arith.constant 0 : i32
    %c0_i32_1 = arith.constant 0 : i32
    return %c0_i32, %c0_i32_0 : i32, i32
  }
  func.func @transform_10(%arg0: i32) -> (i32, i32) {
    %c0_i32 = arith.constant 0 : i32
    %c0_i32_0 = arith.constant 0 : i32
    %c0_i32_1 = arith.constant 0 : i32
    return %c0_i32, %c0_i32_0 : i32, i32
  }
  func.func @transform_11(%arg0: i32) -> (i32, i32) {
    %c0_i32 = arith.constant 0 : i32
    %c0_i32_0 = arith.constant 0 : i32
    %c0_i32_1 = arith.constant 0 : i32
    return %c0_i32, %c0_i32_0 : i32, i32
  }
  func.func @transform_12(%arg0: i32) -> (i32, i32) {
    %c0_i32 = arith.constant 0 : i32
    %c0_i32_0 = arith.constant 0 : i32
    %c0_i32_1 = arith.constant 0 : i32
    return %c0_i32, %c0_i32_0 : i32, i32
  }
  func.func @transform_13(%arg0: i32) -> (i32, i32) {
    %c0_i32 = arith.constant 0 : i32
    %c0_i32_0 = arith.constant 0 : i32
    %c0_i32_1 = arith.constant 0 : i32
    return %c0_i32, %c0_i32_0 : i32, i32
  }
  func.func @transform_14(%arg0: i32) -> (i32, i32) {
    %c0_i32 = arith.constant 0 : i32
    %c0_i32_0 = arith.constant 0 : i32
    %c0_i32_1 = arith.constant 0 : i32
    return %c0_i32, %c0_i32_0 : i32, i32
  }
}

</mosaic_0001>

<sc_bundles>
// kernel: kernel.12.cloned.1.call-start
scs
__scs_entry_jumppad:
0x0: {  	(pc) =	sbr.rel $0x88, $3  }
0x1: {  	(tag) =	ssettag $0x0;
	lr =	simm.s32 $0x1  }
0x2: {  	[smem:$0x3F7B] =	sst lr;
	_ =	strace $0xD0000000  }
0x3: {  	_ = 	snop  }
0x4: {  	_ = 	snop  }
0x5: {  	_ = 	snop  }
0x6: {  	_ = 	snop  }
0x7: {  	_ = 	snop  }
__scs_overlays_trampoline_lowered:
0x8: {  	[smem:$0x3F8A] =	sst s0  }
0x9: {  	[smem:$0x3F8B] =	sst s1  }
0xa: {  	[smem:$0x3F8C] =	sst s2  }
0xb: {  	[smem:$0x3F8D] =	sst s3  }
0xc: {  	[smem:$0x3F8E] =	sst s4  }
0xd: {  	[smem:$0x3F8F] =	sst s5  }
0xe: {  	[smem:$0x3F90] =	sst s6  }
0xf: {  	[smem:$0x3F91] =	sst s7  }
0x10: {  	[smem:$0x3F92] =	sst s8  }
0x11: {  	[smem:$0x3F93] =	sst s9;
	s0 =	simm.s32 @!p0 $0x0  }
0x12: {  	s1 =	sld [smem:$0x3F79];
	s0 =	simm.s32 @p0 $0x1  }
0x13: {  	[smem:$0x3F94] =	sst s0;
	s0 =	simm.s32 @!p1 $0x0  }
0x14: {  	s2 =	sld [smem:$0x3F78];
	s0 =	simm.s32 @p1 $0x1  }
0x15: {  	[smem:$0x3F95] =	sst s0;
	s0 =	simm.s32 @!p2 $0x0  }
0x16: {  	s3 =	sld [smem:$0x3FDB];
	s0 =	simm.s32 @p2 $0x1  }
0x17: {  	s4 =	simm.s32 $0x1BF5;
	[smem:$0x3F97] =	sst s0  }
0x18: {  	s0 =	sld [smem:$0x3F7A];
	_ =	swait.ge [sflag:s4], $0x0  }
0x19: {  	s7 =	sld [smem:$0x3F7B]  }
0x1a: {  	s8 =	sadd.s32 $0xFFFFE003, lr  }
0x1b: {  	s9 =	sadd.s32 $0xFFFFFEF7, lr;
	s5 =	simm.s32 $0xFFFFFFFF;
	p2 =	slt.u32 s8, $0xFFFFF086  }
0x1c: {  	p1 =	slt.u32 s9, $0xF7A;
	s5 =	simm.s32 @!p2 $0x0  }
0x1d: {  	s5 =	simm.s32 @p1 $0x1;
	p0 =	seq.s32 s7, s2  }
0x1e: {  	s7 =	smul.u32 @!p0 $0xF7A, s2;
	p2 =	seq.s32 @!p0 s5, $0x0  }
0x1f: {  	s9 =	smul.u32 $0xF7A, s1;
	s8 =	simm.s32 @!p0 $0x1BF5;
	p2 =	por !p2, p0  }
0x20: {  	[sflag:s8] =	ssyncset.s32 @!p0 $0xFFFFF086;
	s6 =	sadd.s32 @!p0 s3, s7;
	s7 =	simm.s32 @!p0 $0x108  }
0x21: {  	s3 =	sadd.s32 s3, s9;
	s6 =	sadd.s32 @!p0 $0x88, s6;
	s7 =	simm.s32 @p2 $0x1082  }
0x22: {  	[simem:s7], [sflag:s8] =	dma.local @!p0 [hbm:s6], $0xF7A  }
0x23: {  	s9 =	sor.u32 $0xD0000000, s2;
	s6 =	simm.s32 $0x108;
	_ =	swait.ge @!p0 [sflag:s8], $0x0  }
0x24: {  	s3 =	sadd.s32 $0x88, s3;
	s6 =	simm.s32 @!p1 $0x1082;
	[sflag:s4] =	ssyncset.s32 $0xFFFFF086  }
0x25: {  	[simem:s6], [sflag:s4] =	dma.local [hbm:s3], $0xF7A  }
0x26: {  	[smem:$0x3F7B] =	sst s1;
	(tag) =	ssettag s2;
	_ =	strace s9  }
0x27: {  	s1 =	sld [smem:$0x3F8B]  }
0x28: {  	s2 =	sld [smem:$0x3F8C]  }
0x29: {  	s4 =	sld [smem:$0x3F8E]  }
0x2a: {  	p0 =	seq.s32 s5, $0x0;
	s5 =	sld [smem:$0x3F8F]  }
0x2b: {  	s6 =	sld [smem:$0x3F90]  }
0x2c: {  	s7 =	sld [smem:$0x3F91]  }
0x2d: {  	s3 =	simm.s32 $0x108;
	s8 =	sld [smem:$0x3F92]  }
0x2e: {  	s3 =	simm.s32 @!p0 $0x1082;
	s9 =	sld [smem:$0x3F93]  }
0x2f: {  	lr =	sadd.s32 s0, s3;
	s0 =	sld [smem:$0x3F8A]  }
0x30: {  	s3 =	sld [smem:$0x3F8D]  }
0x31: {  	[smem:$0x3F96] =	sst s10  }
0x32: {  	s10 =	sld [smem:$0x3F94];
	_ =	sdelay $0x3  }
0x33: {  	p0 =	seq.s32 s10, $0x1;
	s10 =	sld [smem:$0x3F96];
	_ =	sdelay $0x3  }
0x34: {  	[smem:$0x3F96] =	sst s10  }
0x35: {  	s10 =	sld [smem:$0x3F95];
	_ =	sdelay $0x3  }
0x36: {  	p1 =	seq.s32 s10, $0x1;
	s10 =	sld [smem:$0x3F96];
	_ =	sdelay $0x3  }
0x37: {  	[smem:$0x3F96] =	sst s10  }
0x38: {  	s10 =	sld [smem:$0x3F97]  }
0x39: {  	_ = 	snop;
	(pc) =	sbr.ind lr, $3  }
0x3a: {  	_ = 	snop  }
0x3b: {  	_ = 	snop  }
0x3c: {  	p2 =	seq.s32 s10, $0x1;
	s10 =	sld [smem:$0x3F96]  }
0x3d: {  	_ =	shalt  }
0x3e: {  	_ =	shalt  }
0x3f: {  	_ =	shalt  }
0x40: {  	_ =	shalt  }
0x41: {  	_ =	shalt  }
0x42: {  	_ =	shalt  }
0x43: {  	_ =	shalt  }
0x44: {  	_ =	shalt  }
0x45: {  	_ =	shalt  }
0x46: {  	_ =	shalt  }
0x47: {  	_ =	shalt  }
0x48: {  	_ =	shalt  }
0x49: {  	_ =	shalt  }
0x4a: {  	_ =	shalt  }
0x4b: {  	_ =	shalt  }
0x4c: {  	_ =	shalt  }
0x4d: {  	_ =	shalt  }
0x4e: {  	_ =	shalt  }
0x4f: {  	_ =	shalt  }
0x50: {  	_ =	shalt  }
0x51: {  	_ =	shalt  }
0x52: {  	_ =	shalt  }
0x53: {  	_ =	shalt  }
0x54: {  	_ =	shalt  }
0x55: {  	_ =	shalt  }
0x56: {  	_ =	shalt  }
0x57: {  	_ =	shalt  }
0x58: {  	_ =	shalt  }
0x59: {  	_ =	shalt  }
0x5a: {  	_ =	shalt  }
0x5b: {  	_ =	shalt  }
0x5c: {  	_ =	shalt  }
0x5d: {  	_ =	shalt  }
0x5e: {  	_ =	shalt  }
0x5f: {  	_ =	shalt  }
0x60: {  	_ =	shalt  }
0x61: {  	_ =	shalt  }
0x62: {  	_ =	shalt  }
0x63: {  	_ =	shalt  }
0x64: {  	_ =	shalt  }
0x65: {  	_ =	shalt  }
0x66: {  	_ =	shalt  }
0x67: {  	_ =	shalt  }
0x68: {  	_ =	shalt  }
0x69: {  	_ =	shalt  }
0x6a: {  	_ =	shalt  }
0x6b: {  	_ =	shalt  }
0x6c: {  	_ =	shalt  }
0x6d: {  	_ =	shalt  }
0x6e: {  	_ =	shalt  }
0x6f: {  	_ =	shalt  }
0x70: {  	_ =	shalt  }
0x71: {  	_ =	shalt  }
0x72: {  	_ =	shalt  }
0x73: {  	_ =	shalt  }
0x74: {  	_ =	shalt  }
0x75: {  	_ =	shalt  }
0x76: {  	_ =	shalt  }
0x77: {  	_ =	shalt  }
0x78: {  	_ =	shalt  }
0x79: {  	_ =	shalt  }
0x7a: {  	_ =	shalt  }
0x7b: {  	_ =	shalt  }
0x7c: {  	_ =	shalt  }
0x7d: {  	_ =	shalt  }
0x7e: {  	_ =	shalt  }
0x7f: {  	_ =	shalt  }
0x80: {  	_ =	shalt  }
0x81: {  	_ =	shalt  }
0x82: {  	_ =	shalt  }
0x83: {  	_ =	shalt  }
0x84: {  	_ =	shalt  }
0x85: {  	_ =	shalt  }
0x86: {  	_ =	shalt  }
0x87: {  	_ =	shalt  }
.Lfunc_end0:
.L_simem_size_0:
called_computation.1_lowered:
.L_overlay_start_0:
0x88: {  	s2 =	sld [smem:$0x3FD9]  }
0x89: {  	s3 =	sld [smem:$0x3FFE];
	_ =	sdelay $0x1  }
0x8a: {  	s1 =	srdreg.scid  }
0x8b: {  	s0 =	sand.u32 $0x1, s1  }
0x8c: {  	s16 =	sshll.u32 s0, $0xA;
	s2 =	sadd.s32 s3, s2  }
0x8d: {  	s2 =	sadd.s32 s2, s16  }
0x8e: {  	[smem:$0x3FA2] =	sst s2  }
0x8f: {  	_ = 	snop  }
0x90: {  	(tm) =	ssettm $0x1  }
0x91: {  	s17 =	sld [smem:$0x3FFB];
	_ =	sdelay $0x3  }
0x92: {  	_ =	strace s17  }
0x93: {  	s2 =	sld [smem:$0x3FFC];
	_ =	sdelay $0x3  }
0x94: {  	_ =	strace s2  }
0x95: {  	s2 =	sld [smem:$0x3FFD];
	_ =	sdelay $0x3  }
0x96: {  	_ =	strace s2  }
0x97: {  	_ =	strace $0x8FFFFFFF  }
0x98: {  	s18 =	sld [smem:$0x3FDB];
	_ =	sdelay $0x1  }
0x99: {  	s19 =	simm.s32 $_scs_section_size  }
0x9a: {  	s4 =	simm.s32 $_size__tile_overlayer_lowered;
	s5 =	simm.s32 $_tile_overlayer_lowered  }
0x9b: {  	s22 =	simm.s32 $0x1BFF;
	s21 =	sshll.u32 s5, $0x1;
	s2 =	sadd.s32 s19, s18  }
0x9c: {  	s6 =	simm.s32 $0x0;
	s20 =	sshll.u32 s4, $0x1;
	s4 =	sadd.s32 s21, s2  }
0x9d: {  	[timem:s6], [sflag:s22] =	dma.local [hbm:s4], s20  }
0x9e: {  	_ =	swait.ge [sflag:s22], s20  }
0x9f: {  	s3 =	ssub.s32 $0x0, s20;
	[sflag:s22] =	ssyncset.done $0x0  }
0xa0: {  	[sflag:s22] =	ssyncadd.s32 s3;
	_ =	sdelay $0x1  }
0xa1: {  	s23 =	simm.s32 $0x1B8B  }
0xa2: {  	_ =	swait.ge [sflag:s23], $0x1  }
0xa3: {  	[sflag:s23] =	ssyncset.done $0x0  }
0xa4: {  	s25 =	simm.s32 $0x1B8E;
	s24 =	sld [smem:$0x3FFE];
	[sflag:s23] =	ssyncadd.s32 $0xFFFFFFFF  }
0xa5: {  	s26 =	simm.s32 $execute0_lowered;
	[smem:$0x3FD2] =	sst s25  }
0xa6: {  	s4 =	sshll.u32 s26, $0x1;
	_ =	strace $0x80000049;
	[dreg:$0x1] =	wrdreg $0xFFFFFFFF  }
0xa7: {  	s28 =	simm.s32 $_size_execute0_lowered;
	s2 =	sadd.s32 s2, s4;
	[dreg:$0x0] =	wrdreg $0x0  }
0xa8: {  	s4 =	sshll.u32 s28, $0x1;
	[dreg:$0x2] =	wrdreg s2  }
0xa9: {  	[dreg:$0x3] =	wrdreg s4  }
0xaa: {  	[dreg:$0x4] =	wrdreg $0xC0  }
0xab: {  	_ =	task [dreg:s6], $0x5FFFF  }
0xac: {  	[dreg:$0x1] =	wrdreg $0xFFFFFFFF  }
0xad: {  	[dreg:$0x0] =	wrdreg $0x60  }
0xae: {  	[dreg:$0x2] =	wrdreg s24  }
0xaf: {  	[dreg:$0x3] =	wrdreg $0xA9000  }
0xb0: {  	[dreg:$0x4] =	wrdreg $0x9  }
0xb1: {  	_ =	task.clear_ibuf [dreg:s6], $0x5FFFF;
	_ =	strace $0x90000049  }
0xb2: {  	s29 =	simm.s32 $0x9;
	_ =	strace $0x8000004B  }
0xb3: {  	_ =	swait.ge [sflag:s29], $0x1  }
0xb4: {  	[sflag:s29] =	ssyncadd.s32 $0xFFFFFFFF  }
0xb5: {  	_ =	strace $0x9000004B  }
0xb6: {  	_ =	sfence  }
0xb7: {  	s30 =	sld [smem:$0x0];
	_ =	sdelay $0x2  }
0xb8: {  	s31 =	sshll.u32 s1, $0xD;
	s1 =	sshrl.u32 s1, $0x2  }
0xb9: {  	s3 =	sand.u32 $0x4000, s31;
	s1 =	sadd.s32 s1, s30  }
0xba: {  	s0 =	sor.u32 s3, s0;
	s1 =	sshll.u32 s1, $0x11  }
0xbb: {  	s0 =	sor.u32 s1, s0  }
0xbc: {  	s0 =	sadd.s32 $0x8F2B, s0  }
0xbd: {  	[sflag:s0] =	ssyncadd.remote.s32 $0x1  }
0xbe: {  	_ =	sfence.sel $0xFFFF  }
0xbf: {  	[dreg:$0x0] =	wrdreg $0xFFFFFFFF;
	(pc) =	sbr.abs _section_cstart, $3  }
0xc0: {  	[dreg:$0x1] =	wrdreg $0xFFFFFFFF  }
0xc1: {  	_ =	task.clear_ibuf [dreg:s6], $0x2FFFF;
	_ =	strace $0x9FFFFFFF  }
0xc2: {  	(tm) =	ssettm $0x7FFFFFFF  }
0xc3: {  	_ =	shalt  }
tec
execute0_lowered:
.L_overlay_start_1:
0x0: {  	(tag) =	ssettag $0x1  }
0x1: {  	s5 =	rddreg [dreg:$0x0];
	s1 =	srdreg.scid  }
0x2: {  	s0 =	stileid.u32;
	s2 =	rddreg [dreg:$0x1]  }
0x3: {  	s3 =	simm.s32 $0x0;
	s17 =	simm.s32 $0x80;
	s18 =	simm.s32 $0x2900  }
0x4: {  	s19 =	simm.s32 $0x2880;
	s20 =	simm.s32 $0x6900;
	s21 =	simm.s32 $0x1  }
0x5: {  	s22 =	simm.s32 $0x3;
	s23 =	simm.s32 $0x2;
	s24 =	simm.s32 $0x4  }
0x6: {  	s6 =	sand.u32 $0x1, s1;
	s1 =	rddreg [dreg:$0x2];
	s8 =	smul.u32 $0x2800, s0  }
0x7: {  	s4 =	sshll.u32 s0, $0x1;
	[smem:$0x7FF] =	sst s3;
	s14 =	smul.u32 $0x50000, s0  }
0x8: {  	s13 =	sadd.s32 $0x38800, s5;
	s26 =	smul.u32 $0x5000, s0;
	s29 =	sshll.u32 s0, $0x6  }
0x9: {  	s4 =	sor.u32 s6, s4;
	_ =	strace $0x8000004A;
	s25 =	smul.u32 $0x28000, s6  }
0xa: {  	s11 =	ssub.s32 $0x2, s6;
	s30 =	smul.u32 $0x2800, s6;
	s6 =	sor.u32 $0x1C05, s29  }
0xb: {  	s7 =	smul.u32 $0x2800, s4;
	s12 =	sshrl.u32 s11, $0x1;
	s28 =	sshrl.u32 s14, $0x2  }
0xc: {  	s4 =	sadd.s32 $0x6800, s5;
	s11 =	ssub.s32 s11, s12;
	s16 =	sadd.s32 s28, s2  }
0xd: {  	s31 =	sadd.s32 s30, s26;
	s9 =	sshrl.u32 s7, $0x3;
	s7 =	sadd.s32 s8, s25  }
0xe: {  	s12 =	sor.u32 $0x180, s31;
	s14 =	sor.u32 $0x100, s31;
	s11 =	smax.u32 s11, $0x1  }
0xf: {  	s25 =	simm.s32 $0x0;
	s10 =	sadd.s32 s9, s5;
	s15 =	sadd.s32 s7, s5  }
0x10: {  	s5 =	sadd.s32 s4, s8;
	s8 =	sadd.s32 s13, s9;
	s12 =	sshrl.u32 s12, $0x3  }
0x11: {  	s14 =	sshrl.u32 s14, $0x3;
	s7 =	sadd.s32 $0x2E800, s10;
	s9 =	sadd.s32 $0x10, s8  }
0x12: {  	s10 =	sadd.s32 $0x42800, s15;
	s12 =	sadd.s32 s12, s13;
	s13 =	sadd.s32 s14, s13  }
0x13: {  	s14 =	sshrl.u32 s16, $0x3;
	s15 =	simm.s32 $0x5;
	s16 =	simm.s32 $0x2800  }
.LBB2_1:
0x14: {  	[spmem:s14], [sflag:s6] =	dma.local [hbm:s5], $0x2800  }
0x15: {  	_ =	swait.ge [sflag:s15], $0x2800  }
0x16: {  	[sflag:s15] =	ssyncset.done $0x0  }
0x17: {  	[sflag:s15] =	ssyncadd.s32 $0xFFFFD800  }
0x18: {  	[tilespmem:s3], [sflag:$0x5] =	stream.linear.gather [hbm4b:s7+s3], $0x2800, $0x38;
	[tilespmem:$0x1E900] =	vst v63  }
0x19: {  	_ =	swait.ge [sflag:s15], $0x2800  }
0x1a: {  	[sflag:s15] =	ssyncset.done $0x0  }
0x1b: {  	[sflag:s15] =	ssyncadd.s32 $0xFFFFD800  }
0x1c: {  	[bflag:$0x0] =	sbarrier.arrive $0xFFFF  }
0x1d: {  	[tilespmem:s16], [sflag:$0x3] =	stream.linear.gather [hbm4b:s8+s3], $0x80, $0x38;
	[tilespmem:$0x1E900] =	vst v63  }
0x1e: {  	_ = 	snop  }
0x1f: {  	[tilespmem:s18], [sflag:$0x1] =	stream.indirect.gather [hbm4b:s4+s17], $0x80, s3, s17, $0xb8;
	[tilespmem:$0x1E900] =	vst v63  }
0x20: {  	_ = 	snop  }
0x21: {  	[tilespmem:s19], [sflag:$0x4] =	stream.linear.gather [hbm4b:s9+s3], $0x80, $0x38;
	[tilespmem:$0x1E900] =	vst v63  }
0x22: {  	_ = 	snop  }
0x23: {  	[tilespmem:s20], [sflag:$0x2] =	stream.indirect.gather [hbm4b:s4+s17], $0x80, s17, s17, $0xb8;
	[tilespmem:$0x1E900] =	vst v63  }
0x24: {  	_ =	swait.ge [sflag:s21], $0x4000  }
0x25: {  	[sflag:s21] =	ssyncset.done $0x0  }
0x26: {  	[sflag:s21] =	ssyncadd.s32 $0xFFFFC000  }
0x27: {  	_ =	swait.ge [sflag:s22], $0x80  }
0x28: {  	[sflag:s22] =	ssyncset.done $0x0  }
0x29: {  	[sflag:s22] =	ssyncadd.s32 $0xFFFFFF80  }
0x2a: {  	[spmem:s2] =	stream.indirect.scatter.add.f32 [tilespmem:s18], [sflag:$0x5], $0x80, s16, s17, $0xb8;
	[tilespmem:$0x1E900] =	vst v63  }
0x2b: {  	_ =	swait.ge [sflag:s15], $0x4000  }
0x2c: {  	[sflag:s15] =	ssyncset.done $0x0  }
0x2d: {  	s26 =	sadd.s32 $0x0, s13;
	[sflag:s15] =	ssyncadd.s32 $0xFFFFC000  }
0x2e: {  	[tilespmem:s16], [sflag:$0x3] =	stream.linear.gather [hbm4b:s26+s3], $0x80, $0x38;
	[tilespmem:$0x1E900] =	vst v63  }
0x2f: {  	s30 =	simm.s32 $0x100  }
0x30: {  	[tilespmem:s18], [sflag:$0x1] =	stream.indirect.gather [hbm4b:s4+s17], $0x80, s30, s17, $0xb8;
	[tilespmem:$0x1E900] =	vst v63  }
0x31: {  	_ =	swait.ge [sflag:s23], $0x4000  }
0x32: {  	[sflag:s23] =	ssyncset.done $0x0  }
0x33: {  	[sflag:s23] =	ssyncadd.s32 $0xFFFFC000  }
0x34: {  	_ =	swait.ge [sflag:s24], $0x80  }
0x35: {  	[sflag:s24] =	ssyncset.done $0x0  }
0x36: {  	[sflag:s24] =	ssyncadd.s32 $0xFFFFFF80  }
0x37: {  	[spmem:s2] =	stream.indirect.scatter.add.f32 [tilespmem:s20], [sflag:$0x5], $0x80, s19, s17, $0xb8;
	[tilespmem:$0x1E900] =	vst v63  }
0x38: {  	_ =	swait.ge [sflag:s15], $0x4000  }
0x39: {  	s31 =	sadd.s32 $0x0, s12;
	s28 =	simm.s32 $0x20;
	[sflag:s15] =	ssyncset.done $0x0  }
0x3a: {  	s29 =	simm.s32 $0x280;
	s26 =	simm.s32 $0x180;
	[sflag:s15] =	ssyncadd.s32 $0xFFFFC000  }
0x3b: {  	[tilespmem:s19], [sflag:$0x4] =	stream.linear.gather [hbm4b:s31+s3], $0x80, $0x38;
	[tilespmem:$0x1E900] =	vst v63  }
.LBB2_2:
0x3c: {  	[tilespmem:s20], [sflag:$0x2] =	stream.indirect.gather [hbm4b:s4+s17], $0x80, s26, s17, $0xb8;
	[tilespmem:$0x1E900] =	vst v63  }
0x3d: {  	s30 =	smov.u32 s28;
	s26 =	smov.u32 s29  }
0x3e: {  	p0 =	sne.s32 s28, $0x4C0;
	s28 =	sadd.s32 $0x20, s28;
	_ =	swait.ge [sflag:s21], $0x4000  }
0x3f: {  	[sflag:s21] =	ssyncset.done $0x0  }
0x40: {  	[sflag:s21] =	ssyncadd.s32 $0xFFFFC000  }
0x41: {  	_ =	swait.ge [sflag:s22], $0x80  }
0x42: {  	[sflag:s22] =	ssyncset.done $0x0  }
0x43: {  	[sflag:s22] =	ssyncadd.s32 $0xFFFFFF80  }
0x44: {  	[spmem:s2] =	stream.indirect.scatter.add.f32 [tilespmem:s18], [sflag:$0x5], $0x80, s16, s17, $0xb8;
	[tilespmem:$0x1E900] =	vst v63  }
0x45: {  	_ =	swait.ge [sflag:s15], $0x4000  }
0x46: {  	[sflag:s15] =	ssyncset.done $0x0  }
0x47: {  	s31 =	sadd.s32 s30, s13;
	[sflag:s15] =	ssyncadd.s32 $0xFFFFC000  }
0x48: {  	[tilespmem:s16], [sflag:$0x3] =	stream.linear.gather [hbm4b:s31+s3], $0x80, $0x38;
	[tilespmem:$0x1E900] =	vst v63  }
0x49: {  	s31 =	sadd.s32 $0xFFFFFF80, s29  }
0x4a: {  	[tilespmem:s18], [sflag:$0x1] =	stream.indirect.gather [hbm4b:s4+s17], $0x80, s31, s17, $0xb8;
	[tilespmem:$0x1E900] =	vst v63  }
0x4b: {  	_ =	swait.ge [sflag:s23], $0x4000  }
0x4c: {  	[sflag:s23] =	ssyncset.done $0x0  }
0x4d: {  	[sflag:s23] =	ssyncadd.s32 $0xFFFFC000  }
0x4e: {  	_ =	swait.ge [sflag:s24], $0x80  }
0x4f: {  	[sflag:s24] =	ssyncset.done $0x0  }
0x50: {  	[sflag:s24] =	ssyncadd.s32 $0xFFFFFF80  }
0x51: {  	[spmem:s2] =	stream.indirect.scatter.add.f32 [tilespmem:s20], [sflag:$0x5], $0x80, s19, s17, $0xb8;
	[tilespmem:$0x1E900] =	vst v63  }
.Ltmp0:
0x52: {  	_ =	swait.ge [sflag:s15], $0x4000;
	(pc) =	sbr.rel @p0 .LBB2_2-.Ltmp0, $4  }
0x53: {  	[sflag:s15] =	ssyncset.done $0x0  }
0x54: {  	s30 =	sadd.s32 s30, s12;
	[sflag:s15] =	ssyncadd.s32 $0xFFFFC000  }
0x55: {  	[tilespmem:s19], [sflag:$0x4] =	stream.linear.gather [hbm4b:s30+s3], $0x80, $0x38;
	[tilespmem:$0x1E900] =	vst v63  }
0x56: {  	s29 =	sadd.s32 $0x100, s29  }
0x57: {  	[tilespmem:s20], [sflag:$0x2] =	stream.indirect.gather [hbm4b:s4+s17], $0x80, s26, s17, $0xb8;
	[tilespmem:$0x1E900] =	vst v63  }
0x58: {  	_ =	swait.ge [sflag:s21], $0x4000  }
0x59: {  	[sflag:s21] =	ssyncset.done $0x0  }
0x5a: {  	[sflag:s21] =	ssyncadd.s32 $0xFFFFC000  }
0x5b: {  	_ =	swait.ge [sflag:s22], $0x80  }
0x5c: {  	[sflag:s22] =	ssyncset.done $0x0  }
0x5d: {  	[sflag:s22] =	ssyncadd.s32 $0xFFFFFF80  }
0x5e: {  	[spmem:s2] =	stream.indirect.scatter.add.f32 [tilespmem:s18], [sflag:$0x5], $0x80, s16, s17, $0xb8;
	[tilespmem:$0x1E900] =	vst v63  }
0x5f: {  	_ =	swait.ge [sflag:s15], $0x4000  }
0x60: {  	[sflag:s15] =	ssyncset.done $0x0  }
0x61: {  	[sflag:s15] =	ssyncadd.s32 $0xFFFFC000  }
0x62: {  	_ =	swait.ge [sflag:s23], $0x4000  }
0x63: {  	[sflag:s23] =	ssyncset.done $0x0  }
0x64: {  	[sflag:s23] =	ssyncadd.s32 $0xFFFFC000  }
0x65: {  	_ =	swait.ge [sflag:s24], $0x80  }
0x66: {  	[sflag:s24] =	ssyncset.done $0x0  }
0x67: {  	[sflag:s24] =	ssyncadd.s32 $0xFFFFFF80  }
0x68: {  	[spmem:s2] =	stream.indirect.scatter.add.f32 [tilespmem:s20], [sflag:$0x5], $0x80, s19, s17, $0xb8;
	[tilespmem:$0x1E900] =	vst v63  }
0x69: {  	_ =	swait.ge [sflag:s15], $0x4000  }
0x6a: {  	s25 =	sadd.s32 $0x1, s25;
	[sflag:s15] =	ssyncset.done $0x0  }
0x6b: {  	p0 =	sne.s32 s25, s11;
	[sflag:s15] =	ssyncadd.s32 $0xFFFFC000  }
.Ltmp1:
0x6c: {  	[bflag:$0x0] =	sbarrier.arrive $0xFFFF;
	(pc) =	sbr.rel @p0 .LBB2_1-.Ltmp1, $4  }
0x6d: {  	[hbm:s10], [sflag:s6] =	dma.local [spmem:s14], $0x2800  }
0x6e: {  	_ =	swait.ge [sflag:s15], $0x2800  }
0x6f: {  	[sflag:s15] =	ssyncset.done $0x0  }
0x70: {  	[sflag:s15] =	ssyncadd.s32 $0xFFFFD800  }
0x71: {  	_ =	sfence.sel $0x180000  }
0x72: {  	[bflag:$0x0] =	sbarrier.arrive $0xFFFF  }
0x73: {  	p0 =	sne.s32 s0, $0x0;
	_ =	strace $0x9000004A  }
0x74: {  	s0 =	sadd.s32 @!p0 $0x100000, s1;
	[bflag:$0x2] =	sbarrier.arrive $0xFFFF  }
0x75: {  	[sflag:s0] =	ssyncadd.tile.s32 @!p0 $0x1;
	_ =	shalt  }
.Lfunc_end2:
_tile_overlayer_lowered:
.L_overlay_start_2:
0x76: {  	(tag) =	ssettag $0x2  }
0x77: {  	s0 =	rddreg [dreg:$0x0];
	s2 =	stileid.u32  }
0x78: {  	s1 =	rddreg [dreg:$0x1];
	p0 =	sne.s32 s2, $0x0  }
0x79: {  	s3 =	rddreg [dreg:$0x2];
	[bflag:$0x3] =	sbarrier.arrive $0xFFFF;
	s2 =	simm.s32 @!p0 $0x1C05  }
0x7a: {  	[timem:s3], [sflag:s2] =	dma.local @!p0 [hbm:s0], s1  }
0x7b: {  	s0 =	simm.s32 @!p0 $0x5  }
0x7c: {  	_ =	swait.ge @!p0 [sflag:s0], s1  }
0x7d: {  	s1 =	ssub.s32 @!p0 $0x0, s1;
	[sflag:s0] =	ssyncset.done @!p0 $0x0  }
0x7e: {  	[sflag:s0] =	ssyncadd.s32 @!p0 s1  }
0x7f: {  	[bflag:$0x3] =	sbarrier.arrive $0xFFFF  }
0x80: {  	_ =	shalt  }

// kernel: kernel.15.cloned.1.call-start
scs
__scs_entry_jumppad:
0x0: {  	(pc) =	sbr.rel $0x88, $3  }
0x1: {  	(tag) =	ssettag $0x0;
	lr =	simm.s32 $0x1  }
0x2: {  	[smem:$0x3F7B] =	sst lr;
	_ =	strace $0xD0000000  }
0x3: {  	_ = 	snop  }
0x4: {  	_ = 	snop  }
0x5: {  	_ = 	snop  }
0x6: {  	_ = 	snop  }
0x7: {  	_ = 	snop  }
__scs_overlays_trampoline_lowered:
0x8: {  	[smem:$0x3F8A] =	sst s0  }
0x9: {  	[smem:$0x3F8B] =	sst s1  }
0xa: {  	[smem:$0x3F8C] =	sst s2  }
0xb: {  	[smem:$0x3F8D] =	sst s3  }
0xc: {  	[smem:$0x3F8E] =	sst s4  }
0xd: {  	[smem:$0x3F8F] =	sst s5  }
0xe: {  	[smem:$0x3F90] =	sst s6  }
0xf: {  	[smem:$0x3F91] =	sst s7  }
0x10: {  	[smem:$0x3F92] =	sst s8  }
0x11: {  	[smem:$0x3F93] =	sst s9;
	s0 =	simm.s32 @!p0 $0x0  }
0x12: {  	s1 =	sld [smem:$0x3F79];
	s0 =	simm.s32 @p0 $0x1  }
0x13: {  	[smem:$0x3F94] =	sst s0;
	s0 =	simm.s32 @!p1 $0x0  }
0x14: {  	s2 =	sld [smem:$0x3F78];
	s0 =	simm.s32 @p1 $0x1  }
0x15: {  	[smem:$0x3F95] =	sst s0;
	s0 =	simm.s32 @!p2 $0x0  }
0x16: {  	s3 =	sld [smem:$0x3FDB];
	s0 =	simm.s32 @p2 $0x1  }
0x17: {  	s4 =	simm.s32 $0x1BF5;
	[smem:$0x3F97] =	sst s0  }
0x18: {  	s0 =	sld [smem:$0x3F7A];
	_ =	swait.ge [sflag:s4], $0x0  }
0x19: {  	s7 =	sld [smem:$0x3F7B]  }
0x1a: {  	s8 =	sadd.s32 $0xFFFFE003, lr  }
0x1b: {  	s9 =	sadd.s32 $0xFFFFFEF7, lr;
	s5 =	simm.s32 $0xFFFFFFFF;
	p2 =	slt.u32 s8, $0xFFFFF086  }
0x1c: {  	p1 =	slt.u32 s9, $0xF7A;
	s5 =	simm.s32 @!p2 $0x0  }
0x1d: {  	s5 =	simm.s32 @p1 $0x1;
	p0 =	seq.s32 s7, s2  }
0x1e: {  	s7 =	smul.u32 @!p0 $0xF7A, s2;
	p2 =	seq.s32 @!p0 s5, $0x0  }
0x1f: {  	s9 =	smul.u32 $0xF7A, s1;
	s8 =	simm.s32 @!p0 $0x1BF5;
	p2 =	por !p2, p0  }
0x20: {  	[sflag:s8] =	ssyncset.s32 @!p0 $0xFFFFF086;
	s6 =	sadd.s32 @!p0 s3, s7;
	s7 =	simm.s32 @!p0 $0x108  }
0x21: {  	s3 =	sadd.s32 s3, s9;
	s6 =	sadd.s32 @!p0 $0x88, s6;
	s7 =	simm.s32 @p2 $0x1082  }
0x22: {  	[simem:s7], [sflag:s8] =	dma.local @!p0 [hbm:s6], $0xF7A  }
0x23: {  	s9 =	sor.u32 $0xD0000000, s2;
	s6 =	simm.s32 $0x108;
	_ =	swait.ge @!p0 [sflag:s8], $0x0  }
0x24: {  	s3 =	sadd.s32 $0x88, s3;
	s6 =	simm.s32 @!p1 $0x1082;
	[sflag:s4] =	ssyncset.s32 $0xFFFFF086  }
0x25: {  	[simem:s6], [sflag:s4] =	dma.local [hbm:s3], $0xF7A  }
0x26: {  	[smem:$0x3F7B] =	sst s1;
	(tag) =	ssettag s2;
	_ =	strace s9  }
0x27: {  	s1 =	sld [smem:$0x3F8B]  }
0x28: {  	s2 =	sld [smem:$0x3F8C]  }
0x29: {  	s4 =	sld [smem:$0x3F8E]  }
0x2a: {  	p0 =	seq.s32 s5, $0x0;
	s5 =	sld [smem:$0x3F8F]  }
0x2b: {  	s6 =	sld [smem:$0x3F90]  }
0x2c: {  	s7 =	sld [smem:$0x3F91]  }
0x2d: {  	s3 =	simm.s32 $0x108;
	s8 =	sld [smem:$0x3F92]  }
0x2e: {  	s3 =	simm.s32 @!p0 $0x1082;
	s9 =	sld [smem:$0x3F93]  }
0x2f: {  	lr =	sadd.s32 s0, s3;
	s0 =	sld [smem:$0x3F8A]  }
0x30: {  	s3 =	sld [smem:$0x3F8D]  }
0x31: {  	[smem:$0x3F96] =	sst s10  }
0x32: {  	s10 =	sld [smem:$0x3F94];
	_ =	sdelay $0x3  }
0x33: {  	p0 =	seq.s32 s10, $0x1;
	s10 =	sld [smem:$0x3F96];
	_ =	sdelay $0x3  }
0x34: {  	[smem:$0x3F96] =	sst s10  }
0x35: {  	s10 =	sld [smem:$0x3F95];
	_ =	sdelay $0x3  }
0x36: {  	p1 =	seq.s32 s10, $0x1;
	s10 =	sld [smem:$0x3F96];
	_ =	sdelay $0x3  }
0x37: {  	[smem:$0x3F96] =	sst s10  }
0x38: {  	s10 =	sld [smem:$0x3F97]  }
0x39: {  	_ = 	snop;
	(pc) =	sbr.ind lr, $3  }
0x3a: {  	_ = 	snop  }
0x3b: {  	_ = 	snop  }
0x3c: {  	p2 =	seq.s32 s10, $0x1;
	s10 =	sld [smem:$0x3F96]  }
0x3d: {  	_ =	shalt  }
0x3e: {  	_ =	shalt  }
0x3f: {  	_ =	shalt  }
0x40: {  	_ =	shalt  }
0x41: {  	_ =	shalt  }
0x42: {  	_ =	shalt  }
0x43: {  	_ =	shalt  }
0x44: {  	_ =	shalt  }
0x45: {  	_ =	shalt  }
0x46: {  	_ =	shalt  }
0x47: {  	_ =	shalt  }
0x48: {  	_ =	shalt  }
0x49: {  	_ =	shalt  }
0x4a: {  	_ =	shalt  }
0x4b: {  	_ =	shalt  }
0x4c: {  	_ =	shalt  }
0x4d: {  	_ =	shalt  }
0x4e: {  	_ =	shalt  }
0x4f: {  	_ =	shalt  }
0x50: {  	_ =	shalt  }
0x51: {  	_ =	shalt  }
0x52: {  	_ =	shalt  }
0x53: {  	_ =	shalt  }
0x54: {  	_ =	shalt  }
0x55: {  	_ =	shalt  }
0x56: {  	_ =	shalt  }
0x57: {  	_ =	shalt  }
0x58: {  	_ =	shalt  }
0x59: {  	_ =	shalt  }
0x5a: {  	_ =	shalt  }
0x5b: {  	_ =	shalt  }
0x5c: {  	_ =	shalt  }
0x5d: {  	_ =	shalt  }
0x5e: {  	_ =	shalt  }
0x5f: {  	_ =	shalt  }
0x60: {  	_ =	shalt  }
0x61: {  	_ =	shalt  }
0x62: {  	_ =	shalt  }
0x63: {  	_ =	shalt  }
0x64: {  	_ =	shalt  }
0x65: {  	_ =	shalt  }
0x66: {  	_ =	shalt  }
0x67: {  	_ =	shalt  }
0x68: {  	_ =	shalt  }
0x69: {  	_ =	shalt  }
0x6a: {  	_ =	shalt  }
0x6b: {  	_ =	shalt  }
0x6c: {  	_ =	shalt  }
0x6d: {  	_ =	shalt  }
0x6e: {  	_ =	shalt  }
0x6f: {  	_ =	shalt  }
0x70: {  	_ =	shalt  }
0x71: {  	_ =	shalt  }
0x72: {  	_ =	shalt  }
0x73: {  	_ =	shalt  }
0x74: {  	_ =	shalt  }
0x75: {  	_ =	shalt  }
0x76: {  	_ =	shalt  }
0x77: {  	_ =	shalt  }
0x78: {  	_ =	shalt  }
0x79: {  	_ =	shalt  }
0x7a: {  	_ =	shalt  }
0x7b: {  	_ =	shalt  }
0x7c: {  	_ =	shalt  }
0x7d: {  	_ =	shalt  }
0x7e: {  	_ =	shalt  }
0x7f: {  	_ =	shalt  }
0x80: {  	_ =	shalt  }
0x81: {  	_ =	shalt  }
0x82: {  	_ =	shalt  }
0x83: {  	_ =	shalt  }
0x84: {  	_ =	shalt  }
0x85: {  	_ =	shalt  }
0x86: {  	_ =	shalt  }
0x87: {  	_ =	shalt  }
.Lfunc_end0:
.L_simem_size_0:
called_computation.2_lowered:
.L_overlay_start_0:
0x88: {  	s2 =	sld [smem:$0x3FD9]  }
0x89: {  	s3 =	sld [smem:$0x3FFE];
	_ =	sdelay $0x1  }
0x8a: {  	s1 =	srdreg.scid  }
0x8b: {  	s0 =	sand.u32 $0x1, s1  }
0x8c: {  	s16 =	sshll.u32 s0, $0xA;
	s2 =	sadd.s32 s3, s2  }
0x8d: {  	s2 =	sadd.s32 s2, s16  }
0x8e: {  	[smem:$0x3FA2] =	sst s2  }
0x8f: {  	_ = 	snop  }
0x90: {  	(tm) =	ssettm $0x1  }
0x91: {  	s17 =	sld [smem:$0x3FFB];
	_ =	sdelay $0x3  }
0x92: {  	_ =	strace s17  }
0x93: {  	s2 =	sld [smem:$0x3FFC];
	_ =	sdelay $0x3  }
0x94: {  	_ =	strace s2  }
0x95: {  	s2 =	sld [smem:$0x3FFD];
	_ =	sdelay $0x3  }
0x96: {  	_ =	strace s2  }
0x97: {  	_ =	strace $0x8FFFFFFF  }
0x98: {  	s18 =	sld [smem:$0x3FDB];
	_ =	sdelay $0x1  }
0x99: {  	s19 =	simm.s32 $_scs_section_size  }
0x9a: {  	s4 =	simm.s32 $_size__tile_overlayer_lowered;
	s5 =	simm.s32 $_tile_overlayer_lowered  }
0x9b: {  	s22 =	simm.s32 $0x1BFF;
	s21 =	sshll.u32 s5, $0x1;
	s2 =	sadd.s32 s19, s18  }
0x9c: {  	s6 =	simm.s32 $0x0;
	s20 =	sshll.u32 s4, $0x1;
	s4 =	sadd.s32 s21, s2  }
0x9d: {  	[timem:s6], [sflag:s22] =	dma.local [hbm:s4], s20  }
0x9e: {  	_ =	swait.ge [sflag:s22], s20  }
0x9f: {  	s3 =	ssub.s32 $0x0, s20;
	[sflag:s22] =	ssyncset.done $0x0  }
0xa0: {  	[sflag:s22] =	ssyncadd.s32 s3;
	_ =	sdelay $0x1  }
0xa1: {  	s23 =	simm.s32 $0x1B8B  }
0xa2: {  	_ =	swait.ge [sflag:s23], $0x1  }
0xa3: {  	[sflag:s23] =	ssyncset.done $0x0  }
0xa4: {  	s25 =	simm.s32 $0x1B8E;
	s24 =	sld [smem:$0x3FFE];
	[sflag:s23] =	ssyncadd.s32 $0xFFFFFFFF  }
0xa5: {  	s26 =	simm.s32 $execute0_lowered;
	[smem:$0x3FD2] =	sst s25  }
0xa6: {  	s4 =	sshll.u32 s26, $0x1;
	_ =	strace $0x8000004C;
	[dreg:$0x1] =	wrdreg $0xFFFFFFFF  }
0xa7: {  	s28 =	simm.s32 $_size_execute0_lowered;
	s2 =	sadd.s32 s2, s4;
	[dreg:$0x0] =	wrdreg $0x0  }
0xa8: {  	s4 =	sshll.u32 s28, $0x1;
	[dreg:$0x2] =	wrdreg s2  }
0xa9: {  	[dreg:$0x3] =	wrdreg s4  }
0xaa: {  	[dreg:$0x4] =	wrdreg $0xC0  }
0xab: {  	_ =	task [dreg:s6], $0x5FFFF  }
0xac: {  	[dreg:$0x1] =	wrdreg $0xFFFFFFFF  }
0xad: {  	[dreg:$0x0] =	wrdreg $0x60  }
0xae: {  	[dreg:$0x2] =	wrdreg s24  }
0xaf: {  	[dreg:$0x3] =	wrdreg $0xA9000  }
0xb0: {  	[dreg:$0x4] =	wrdreg $0x9  }
0xb1: {  	_ =	task.clear_ibuf [dreg:s6], $0x5FFFF;
	_ =	strace $0x9000004C  }
0xb2: {  	s29 =	simm.s32 $0x9;
	_ =	strace $0x8000004E  }
0xb3: {  	_ =	swait.ge [sflag:s29], $0x1  }
0xb4: {  	[sflag:s29] =	ssyncadd.s32 $0xFFFFFFFF  }
0xb5: {  	_ =	strace $0x9000004E  }
0xb6: {  	_ =	sfence  }
0xb7: {  	s30 =	sld [smem:$0x0];
	_ =	sdelay $0x2  }
0xb8: {  	s31 =	sshll.u32 s1, $0xD;
	s1 =	sshrl.u32 s1, $0x2  }
0xb9: {  	s3 =	sand.u32 $0x4000, s31;
	s1 =	sadd.s32 s1, s30  }
0xba: {  	s0 =	sor.u32 s3, s0;
	s1 =	sshll.u32 s1, $0x11  }
0xbb: {  	s0 =	sor.u32 s1, s0  }
0xbc: {  	s0 =	sadd.s32 $0x8F2B, s0  }
0xbd: {  	[sflag:s0] =	ssyncadd.remote.s32 $0x1  }
0xbe: {  	_ =	sfence.sel $0xFFFF  }
0xbf: {  	[dreg:$0x0] =	wrdreg $0xFFFFFFFF;
	(pc) =	sbr.abs _section_cstart, $3  }
0xc0: {  	[dreg:$0x1] =	wrdreg $0xFFFFFFFF  }
0xc1: {  	_ =	task.clear_ibuf [dreg:s6], $0x2FFFF;
	_ =	strace $0x9FFFFFFF  }
0xc2: {  	(tm) =	ssettm $0x7FFFFFFF  }
0xc3: {  	_ =	shalt  }
tec
execute0_lowered:
.L_overlay_start_1:
0x0: {  	(tag) =	ssettag $0x1  }
0x1: {  	s5 =	rddreg [dreg:$0x0];
	s1 =	srdreg.scid  }
0x2: {  	s0 =	stileid.u32;
	s2 =	rddreg [dreg:$0x1]  }
0x3: {  	s3 =	simm.s32 $0x0;
	s17 =	simm.s32 $0x80;
	s18 =	simm.s32 $0x2900  }
0x4: {  	s19 =	simm.s32 $0x2880;
	s20 =	simm.s32 $0x6900;
	s21 =	simm.s32 $0x1  }
0x5: {  	s22 =	simm.s32 $0x3;
	s23 =	simm.s32 $0x2;
	s24 =	simm.s32 $0x4  }
0x6: {  	s6 =	sand.u32 $0x1, s1;
	s1 =	rddreg [dreg:$0x2];
	s8 =	smul.u32 $0x2800, s0  }
0x7: {  	s4 =	sshll.u32 s0, $0x1;
	[smem:$0x7FF] =	sst s3;
	s14 =	smul.u32 $0x50000, s0  }
0x8: {  	s13 =	sadd.s32 $0x38800, s5;
	s26 =	smul.u32 $0x5000, s0;
	s29 =	sshll.u32 s0, $0x6  }
0x9: {  	s4 =	sor.u32 s6, s4;
	_ =	strace $0x8000004D;
	s25 =	smul.u32 $0x28000, s6  }
0xa: {  	s11 =	ssub.s32 $0x2, s6;
	s30 =	smul.u32 $0x2800, s6;
	s6 =	sor.u32 $0x1C05, s29  }
0xb: {  	s7 =	smul.u32 $0x2800, s4;
	s12 =	sshrl.u32 s11, $0x1;
	s28 =	sshrl.u32 s14, $0x2  }
0xc: {  	s4 =	sadd.s32 $0x6800, s5;
	s11 =	ssub.s32 s11, s12;
	s16 =	sadd.s32 s28, s2  }
0xd: {  	s31 =	sadd.s32 s30, s26;
	s9 =	sshrl.u32 s7, $0x3;
	s7 =	sadd.s32 s8, s25  }
0xe: {  	s12 =	sor.u32 $0x180, s31;
	s14 =	sor.u32 $0x100, s31;
	s11 =	smax.u32 s11, $0x1  }
0xf: {  	s25 =	simm.s32 $0x0;
	s10 =	sadd.s32 s9, s5;
	s15 =	sadd.s32 s7, s5  }
0x10: {  	s5 =	sadd.s32 s4, s8;
	s8 =	sadd.s32 s13, s9;
	s12 =	sshrl.u32 s12, $0x3  }
0x11: {  	s14 =	sshrl.u32 s14, $0x3;
	s7 =	sadd.s32 $0x2E800, s10;
	s9 =	sadd.s32 $0x10, s8  }
0x12: {  	s10 =	sadd.s32 $0x42800, s15;
	s12 =	sadd.s32 s12, s13;
	s13 =	sadd.s32 s14, s13  }
0x13: {  	s14 =	sshrl.u32 s16, $0x3;
	s15 =	simm.s32 $0x5;
	s16 =	simm.s32 $0x2800  }
.LBB2_1:
0x14: {  	[spmem:s14], [sflag:s6] =	dma.local [hbm:s5], $0x2800  }
0x15: {  	_ =	swait.ge [sflag:s15], $0x2800  }
0x16: {  	[sflag:s15] =	ssyncset.done $0x0  }
0x17: {  	[sflag:s15] =	ssyncadd.s32 $0xFFFFD800  }
0x18: {  	[tilespmem:s3], [sflag:$0x5] =	stream.linear.gather [hbm4b:s7+s3], $0x2800, $0x38;
	[tilespmem:$0x1E900] =	vst v63  }
0x19: {  	_ =	swait.ge [sflag:s15], $0x2800  }
0x1a: {  	[sflag:s15] =	ssyncset.done $0x0  }
0x1b: {  	[sflag:s15] =	ssyncadd.s32 $0xFFFFD800  }
0x1c: {  	[bflag:$0x0] =	sbarrier.arrive $0xFFFF  }
0x1d: {  	[tilespmem:s16], [sflag:$0x3] =	stream.linear.gather [hbm4b:s8+s3], $0x80, $0x38;
	[tilespmem:$0x1E900] =	vst v63  }
0x1e: {  	_ = 	snop  }
0x1f: {  	[tilespmem:s18], [sflag:$0x1] =	stream.indirect.gather [hbm4b:s4+s17], $0x80, s3, s17, $0xb8;
	[tilespmem:$0x1E900] =	vst v63  }
0x20: {  	_ = 	snop  }
0x21: {  	[tilespmem:s19], [sflag:$0x4] =	stream.linear.gather [hbm4b:s9+s3], $0x80, $0x38;
	[tilespmem:$0x1E900] =	vst v63  }
0x22: {  	_ = 	snop  }
0x23: {  	[tilespmem:s20], [sflag:$0x2] =	stream.indirect.gather [hbm4b:s4+s17], $0x80, s17, s17, $0xb8;
	[tilespmem:$0x1E900] =	vst v63  }
0x24: {  	_ =	swait.ge [sflag:s21], $0x4000  }
0x25: {  	[sflag:s21] =	ssyncset.done $0x0  }
0x26: {  	[sflag:s21] =	ssyncadd.s32 $0xFFFFC000  }
0x27: {  	_ =	swait.ge [sflag:s22], $0x80  }
0x28: {  	[sflag:s22] =	ssyncset.done $0x0  }
0x29: {  	[sflag:s22] =	ssyncadd.s32 $0xFFFFFF80  }
0x2a: {  	[spmem:s2] =	stream.indirect.scatter.add.f32 [tilespmem:s18], [sflag:$0x5], $0x80, s16, s17, $0xb8;
	[tilespmem:$0x1E900] =	vst v63  }
0x2b: {  	_ =	swait.ge [sflag:s15], $0x4000  }
0x2c: {  	[sflag:s15] =	ssyncset.done $0x0  }
0x2d: {  	s26 =	sadd.s32 $0x0, s13;
	[sflag:s15] =	ssyncadd.s32 $0xFFFFC000  }
0x2e: {  	[tilespmem:s16], [sflag:$0x3] =	stream.linear.gather [hbm4b:s26+s3], $0x80, $0x38;
	[tilespmem:$0x1E900] =	vst v63  }
0x2f: {  	s30 =	simm.s32 $0x100  }
0x30: {  	[tilespmem:s18], [sflag:$0x1] =	stream.indirect.gather [hbm4b:s4+s17], $0x80, s30, s17, $0xb8;
	[tilespmem:$0x1E900] =	vst v63  }
0x31: {  	_ =	swait.ge [sflag:s23], $0x4000  }
0x32: {  	[sflag:s23] =	ssyncset.done $0x0  }
0x33: {  	[sflag:s23] =	ssyncadd.s32 $0xFFFFC000  }
0x34: {  	_ =	swait.ge [sflag:s24], $0x80  }
0x35: {  	[sflag:s24] =	ssyncset.done $0x0  }
0x36: {  	[sflag:s24] =	ssyncadd.s32 $0xFFFFFF80  }
0x37: {  	[spmem:s2] =	stream.indirect.scatter.add.f32 [tilespmem:s20], [sflag:$0x5], $0x80, s19, s17, $0xb8;
	[tilespmem:$0x1E900] =	vst v63  }
0x38: {  	_ =	swait.ge [sflag:s15], $0x4000  }
0x39: {  	s31 =	sadd.s32 $0x0, s12;
	s28 =	simm.s32 $0x20;
	[sflag:s15] =	ssyncset.done $0x0  }
0x3a: {  	s29 =	simm.s32 $0x280;
	s26 =	simm.s32 $0x180;
	[sflag:s15] =	ssyncadd.s32 $0xFFFFC000  }
0x3b: {  	[tilespmem:s19], [sflag:$0x4] =	stream.linear.gather [hbm4b:s31+s3], $0x80, $0x38;
	[tilespmem:$0x1E900] =	vst v63  }
.LBB2_2:
0x3c: {  	[tilespmem:s20], [sflag:$0x2] =	stream.indirect.gather [hbm4b:s4+s17], $0x80, s26, s17, $0xb8;
	[tilespmem:$0x1E900] =	vst v63  }
0x3d: {  	s30 =	smov.u32 s28;
	s26 =	smov.u32 s29  }
0x3e: {  	p0 =	sne.s32 s28, $0x4C0;
	s28 =	sadd.s32 $0x20, s28;
	_ =	swait.ge [sflag:s21], $0x4000  }
0x3f: {  	[sflag:s21] =	ssyncset.done $0x0  }
0x40: {  	[sflag:s21] =	ssyncadd.s32 $0xFFFFC000  }
0x41: {  	_ =	swait.ge [sflag:s22], $0x80  }
0x42: {  	[sflag:s22] =	ssyncset.done $0x0  }
0x43: {  	[sflag:s22] =	ssyncadd.s32 $0xFFFFFF80  }
0x44: {  	[spmem:s2] =	stream.indirect.scatter.add.f32 [tilespmem:s18], [sflag:$0x5], $0x80, s16, s17, $0xb8;
	[tilespmem:$0x1E900] =	vst v63  }
0x45: {  	_ =	swait.ge [sflag:s15], $0x4000  }
0x46: {  	[sflag:s15] =	ssyncset.done $0x0  }
0x47: {  	s31 =	sadd.s32 s30, s13;
	[sflag:s15] =	ssyncadd.s32 $0xFFFFC000  }
0x48: {  	[tilespmem:s16], [sflag:$0x3] =	stream.linear.gather [hbm4b:s31+s3], $0x80, $0x38;
	[tilespmem:$0x1E900] =	vst v63  }
0x49: {  	s31 =	sadd.s32 $0xFFFFFF80, s29  }
0x4a: {  	[tilespmem:s18], [sflag:$0x1] =	stream.indirect.gather [hbm4b:s4+s17], $0x80, s31, s17, $0xb8;
	[tilespmem:$0x1E900] =	vst v63  }
0x4b: {  	_ =	swait.ge [sflag:s23], $0x4000  }
0x4c: {  	[sflag:s23] =	ssyncset.done $0x0  }
0x4d: {  	[sflag:s23] =	ssyncadd.s32 $0xFFFFC000  }
0x4e: {  	_ =	swait.ge [sflag:s24], $0x80  }
0x4f: {  	[sflag:s24] =	ssyncset.done $0x0  }
0x50: {  	[sflag:s24] =	ssyncadd.s32 $0xFFFFFF80  }
0x51: {  	[spmem:s2] =	stream.indirect.scatter.add.f32 [tilespmem:s20], [sflag:$0x5], $0x80, s19, s17, $0xb8;
	[tilespmem:$0x1E900] =	vst v63  }
.Ltmp0:
0x52: {  	_ =	swait.ge [sflag:s15], $0x4000;
	(pc) =	sbr.rel @p0 .LBB2_2-.Ltmp0, $4  }
0x53: {  	[sflag:s15] =	ssyncset.done $0x0  }
0x54: {  	s30 =	sadd.s32 s30, s12;
	[sflag:s15] =	ssyncadd.s32 $0xFFFFC000  }
0x55: {  	[tilespmem:s19], [sflag:$0x4] =	stream.linear.gather [hbm4b:s30+s3], $0x80, $0x38;
	[tilespmem:$0x1E900] =	vst v63  }
0x56: {  	s29 =	sadd.s32 $0x100, s29  }
0x57: {  	[tilespmem:s20], [sflag:$0x2] =	stream.indirect.gather [hbm4b:s4+s17], $0x80, s26, s17, $0xb8;
	[tilespmem:$0x1E900] =	vst v63  }
0x58: {  	_ =	swait.ge [sflag:s21], $0x4000  }
0x59: {  	[sflag:s21] =	ssyncset.done $0x0  }
0x5a: {  	[sflag:s21] =	ssyncadd.s32 $0xFFFFC000  }
0x5b: {  	_ =	swait.ge [sflag:s22], $0x80  }
0x5c: {  	[sflag:s22] =	ssyncset.done $0x0  }
0x5d: {  	[sflag:s22] =	ssyncadd.s32 $0xFFFFFF80  }
0x5e: {  	[spmem:s2] =	stream.indirect.scatter.add.f32 [tilespmem:s18], [sflag:$0x5], $0x80, s16, s17, $0xb8;
	[tilespmem:$0x1E900] =	vst v63  }
0x5f: {  	_ =	swait.ge [sflag:s15], $0x4000  }
0x60: {  	[sflag:s15] =	ssyncset.done $0x0  }
0x61: {  	[sflag:s15] =	ssyncadd.s32 $0xFFFFC000  }
0x62: {  	_ =	swait.ge [sflag:s23], $0x4000  }
0x63: {  	[sflag:s23] =	ssyncset.done $0x0  }
0x64: {  	[sflag:s23] =	ssyncadd.s32 $0xFFFFC000  }
0x65: {  	_ =	swait.ge [sflag:s24], $0x80  }
0x66: {  	[sflag:s24] =	ssyncset.done $0x0  }
0x67: {  	[sflag:s24] =	ssyncadd.s32 $0xFFFFFF80  }
0x68: {  	[spmem:s2] =	stream.indirect.scatter.add.f32 [tilespmem:s20], [sflag:$0x5], $0x80, s19, s17, $0xb8;
	[tilespmem:$0x1E900] =	vst v63  }
0x69: {  	_ =	swait.ge [sflag:s15], $0x4000  }
0x6a: {  	s25 =	sadd.s32 $0x1, s25;
	[sflag:s15] =	ssyncset.done $0x0  }
0x6b: {  	p0 =	sne.s32 s25, s11;
	[sflag:s15] =	ssyncadd.s32 $0xFFFFC000  }
.Ltmp1:
0x6c: {  	[bflag:$0x0] =	sbarrier.arrive $0xFFFF;
	(pc) =	sbr.rel @p0 .LBB2_1-.Ltmp1, $4  }
0x6d: {  	[hbm:s10], [sflag:s6] =	dma.local [spmem:s14], $0x2800  }
0x6e: {  	_ =	swait.ge [sflag:s15], $0x2800  }
0x6f: {  	[sflag:s15] =	ssyncset.done $0x0  }
0x70: {  	[sflag:s15] =	ssyncadd.s32 $0xFFFFD800  }
0x71: {  	_ =	sfence.sel $0x180000  }
0x72: {  	[bflag:$0x0] =	sbarrier.arrive $0xFFFF  }
0x73: {  	p0 =	sne.s32 s0, $0x0;
	_ =	strace $0x9000004D  }
0x74: {  	s0 =	sadd.s32 @!p0 $0x100000, s1;
	[bflag:$0x2] =	sbarrier.arrive $0xFFFF  }
0x75: {  	[sflag:s0] =	ssyncadd.tile.s32 @!p0 $0x1;
	_ =	shalt  }
.Lfunc_end2:
_tile_overlayer_lowered:
.L_overlay_start_2:
0x76: {  	(tag) =	ssettag $0x2  }
0x77: {  	s0 =	rddreg [dreg:$0x0];
	s2 =	stileid.u32  }
0x78: {  	s1 =	rddreg [dreg:$0x1];
	p0 =	sne.s32 s2, $0x0  }
0x79: {  	s3 =	rddreg [dreg:$0x2];
	[bflag:$0x3] =	sbarrier.arrive $0xFFFF;
	s2 =	simm.s32 @!p0 $0x1C05  }
0x7a: {  	[timem:s3], [sflag:s2] =	dma.local @!p0 [hbm:s0], s1  }
0x7b: {  	s0 =	simm.s32 @!p0 $0x5  }
0x7c: {  	_ =	swait.ge @!p0 [sflag:s0], s1  }
0x7d: {  	s1 =	ssub.s32 @!p0 $0x0, s1;
	[sflag:s0] =	ssyncset.done @!p0 $0x0  }
0x7e: {  	[sflag:s0] =	ssyncadd.s32 @!p0 s1  }
0x7f: {  	[bflag:$0x3] =	sbarrier.arrive $0xFFFF  }
0x80: {  	_ =	shalt  }

// kernel: kernel.9.cloned.1.call-start
scs
__scs_entry_jumppad:
0x0: {  	(pc) =	sbr.rel $0x88, $3  }
0x1: {  	(tag) =	ssettag $0x0;
	lr =	simm.s32 $0x1  }
0x2: {  	[smem:$0x3F7B] =	sst lr;
	_ =	strace $0xD0000000  }
0x3: {  	_ = 	snop  }
0x4: {  	_ = 	snop  }
0x5: {  	_ = 	snop  }
0x6: {  	_ = 	snop  }
0x7: {  	_ = 	snop  }
__scs_overlays_trampoline_lowered:
0x8: {  	[smem:$0x3F8A] =	sst s0  }
0x9: {  	[smem:$0x3F8B] =	sst s1  }
0xa: {  	[smem:$0x3F8C] =	sst s2  }
0xb: {  	[smem:$0x3F8D] =	sst s3  }
0xc: {  	[smem:$0x3F8E] =	sst s4  }
0xd: {  	[smem:$0x3F8F] =	sst s5  }
0xe: {  	[smem:$0x3F90] =	sst s6  }
0xf: {  	[smem:$0x3F91] =	sst s7  }
0x10: {  	[smem:$0x3F92] =	sst s8  }
0x11: {  	[smem:$0x3F93] =	sst s9;
	s0 =	simm.s32 @!p0 $0x0  }
0x12: {  	s1 =	sld [smem:$0x3F79];
	s0 =	simm.s32 @p0 $0x1  }
0x13: {  	[smem:$0x3F94] =	sst s0;
	s0 =	simm.s32 @!p1 $0x0  }
0x14: {  	s2 =	sld [smem:$0x3F78];
	s0 =	simm.s32 @p1 $0x1  }
0x15: {  	[smem:$0x3F95] =	sst s0;
	s0 =	simm.s32 @!p2 $0x0  }
0x16: {  	s3 =	sld [smem:$0x3FDB];
	s0 =	simm.s32 @p2 $0x1  }
0x17: {  	s4 =	simm.s32 $0x1BF5;
	[smem:$0x3F97] =	sst s0  }
0x18: {  	s0 =	sld [smem:$0x3F7A];
	_ =	swait.ge [sflag:s4], $0x0  }
0x19: {  	s7 =	sld [smem:$0x3F7B]  }
0x1a: {  	s8 =	sadd.s32 $0xFFFFE003, lr  }
0x1b: {  	s9 =	sadd.s32 $0xFFFFFEF7, lr;
	s5 =	simm.s32 $0xFFFFFFFF;
	p2 =	slt.u32 s8, $0xFFFFF086  }
0x1c: {  	p1 =	slt.u32 s9, $0xF7A;
	s5 =	simm.s32 @!p2 $0x0  }
0x1d: {  	s5 =	simm.s32 @p1 $0x1;
	p0 =	seq.s32 s7, s2  }
0x1e: {  	s7 =	smul.u32 @!p0 $0xF7A, s2;
	p2 =	seq.s32 @!p0 s5, $0x0  }
0x1f: {  	s9 =	smul.u32 $0xF7A, s1;
	s8 =	simm.s32 @!p0 $0x1BF5;
	p2 =	por !p2, p0  }
0x20: {  	[sflag:s8] =	ssyncset.s32 @!p0 $0xFFFFF086;
	s6 =	sadd.s32 @!p0 s3, s7;
	s7 =	simm.s32 @!p0 $0x108  }
0x21: {  	s3 =	sadd.s32 s3, s9;
	s6 =	sadd.s32 @!p0 $0x88, s6;
	s7 =	simm.s32 @p2 $0x1082  }
0x22: {  	[simem:s7], [sflag:s8] =	dma.local @!p0 [hbm:s6], $0xF7A  }
0x23: {  	s9 =	sor.u32 $0xD0000000, s2;
	s6 =	simm.s32 $0x108;
	_ =	swait.ge @!p0 [sflag:s8], $0x0  }
0x24: {  	s3 =	sadd.s32 $0x88, s3;
	s6 =	simm.s32 @!p1 $0x1082;
	[sflag:s4] =	ssyncset.s32 $0xFFFFF086  }
0x25: {  	[simem:s6], [sflag:s4] =	dma.local [hbm:s3], $0xF7A  }
0x26: {  	[smem:$0x3F7B] =	sst s1;
	(tag) =	ssettag s2;
	_ =	strace s9  }
0x27: {  	s1 =	sld [smem:$0x3F8B]  }
0x28: {  	s2 =	sld [smem:$0x3F8C]  }
0x29: {  	s4 =	sld [smem:$0x3F8E]  }
0x2a: {  	p0 =	seq.s32 s5, $0x0;
	s5 =	sld [smem:$0x3F8F]  }
0x2b: {  	s6 =	sld [smem:$0x3F90]  }
0x2c: {  	s7 =	sld [smem:$0x3F91]  }
0x2d: {  	s3 =	simm.s32 $0x108;
	s8 =	sld [smem:$0x3F92]  }
0x2e: {  	s3 =	simm.s32 @!p0 $0x1082;
	s9 =	sld [smem:$0x3F93]  }
0x2f: {  	lr =	sadd.s32 s0, s3;
	s0 =	sld [smem:$0x3F8A]  }
0x30: {  	s3 =	sld [smem:$0x3F8D]  }
0x31: {  	[smem:$0x3F96] =	sst s10  }
0x32: {  	s10 =	sld [smem:$0x3F94];
	_ =	sdelay $0x3  }
0x33: {  	p0 =	seq.s32 s10, $0x1;
	s10 =	sld [smem:$0x3F96];
	_ =	sdelay $0x3  }
0x34: {  	[smem:$0x3F96] =	sst s10  }
0x35: {  	s10 =	sld [smem:$0x3F95];
	_ =	sdelay $0x3  }
0x36: {  	p1 =	seq.s32 s10, $0x1;
	s10 =	sld [smem:$0x3F96];
	_ =	sdelay $0x3  }
0x37: {  	[smem:$0x3F96] =	sst s10  }
0x38: {  	s10 =	sld [smem:$0x3F97]  }
0x39: {  	_ = 	snop;
	(pc) =	sbr.ind lr, $3  }
0x3a: {  	_ = 	snop  }
0x3b: {  	_ = 	snop  }
0x3c: {  	p2 =	seq.s32 s10, $0x1;
	s10 =	sld [smem:$0x3F96]  }
0x3d: {  	_ =	shalt  }
0x3e: {  	_ =	shalt  }
0x3f: {  	_ =	shalt  }
0x40: {  	_ =	shalt  }
0x41: {  	_ =	shalt  }
0x42: {  	_ =	shalt  }
0x43: {  	_ =	shalt  }
0x44: {  	_ =	shalt  }
0x45: {  	_ =	shalt  }
0x46: {  	_ =	shalt  }
0x47: {  	_ =	shalt  }
0x48: {  	_ =	shalt  }
0x49: {  	_ =	shalt  }
0x4a: {  	_ =	shalt  }
0x4b: {  	_ =	shalt  }
0x4c: {  	_ =	shalt  }
0x4d: {  	_ =	shalt  }
0x4e: {  	_ =	shalt  }
0x4f: {  	_ =	shalt  }
0x50: {  	_ =	shalt  }
0x51: {  	_ =	shalt  }
0x52: {  	_ =	shalt  }
0x53: {  	_ =	shalt  }
0x54: {  	_ =	shalt  }
0x55: {  	_ =	shalt  }
0x56: {  	_ =	shalt  }
0x57: {  	_ =	shalt  }
0x58: {  	_ =	shalt  }
0x59: {  	_ =	shalt  }
0x5a: {  	_ =	shalt  }
0x5b: {  	_ =	shalt  }
0x5c: {  	_ =	shalt  }
0x5d: {  	_ =	shalt  }
0x5e: {  	_ =	shalt  }
0x5f: {  	_ =	shalt  }
0x60: {  	_ =	shalt  }
0x61: {  	_ =	shalt  }
0x62: {  	_ =	shalt  }
0x63: {  	_ =	shalt  }
0x64: {  	_ =	shalt  }
0x65: {  	_ =	shalt  }
0x66: {  	_ =	shalt  }
0x67: {  	_ =	shalt  }
0x68: {  	_ =	shalt  }
0x69: {  	_ =	shalt  }
0x6a: {  	_ =	shalt  }
0x6b: {  	_ =	shalt  }
0x6c: {  	_ =	shalt  }
0x6d: {  	_ =	shalt  }
0x6e: {  	_ =	shalt  }
0x6f: {  	_ =	shalt  }
0x70: {  	_ =	shalt  }
0x71: {  	_ =	shalt  }
0x72: {  	_ =	shalt  }
0x73: {  	_ =	shalt  }
0x74: {  	_ =	shalt  }
0x75: {  	_ =	shalt  }
0x76: {  	_ =	shalt  }
0x77: {  	_ =	shalt  }
0x78: {  	_ =	shalt  }
0x79: {  	_ =	shalt  }
0x7a: {  	_ =	shalt  }
0x7b: {  	_ =	shalt  }
0x7c: {  	_ =	shalt  }
0x7d: {  	_ =	shalt  }
0x7e: {  	_ =	shalt  }
0x7f: {  	_ =	shalt  }
0x80: {  	_ =	shalt  }
0x81: {  	_ =	shalt  }
0x82: {  	_ =	shalt  }
0x83: {  	_ =	shalt  }
0x84: {  	_ =	shalt  }
0x85: {  	_ =	shalt  }
0x86: {  	_ =	shalt  }
0x87: {  	_ =	shalt  }
.Lfunc_end0:
.L_simem_size_0:
called_computation_lowered:
.L_overlay_start_0:
0x88: {  	s2 =	sld [smem:$0x3FD9]  }
0x89: {  	s3 =	sld [smem:$0x3FFE];
	_ =	sdelay $0x1  }
0x8a: {  	s1 =	srdreg.scid  }
0x8b: {  	s0 =	sand.u32 $0x1, s1  }
0x8c: {  	s16 =	sshll.u32 s0, $0xA;
	s2 =	sadd.s32 s3, s2  }
0x8d: {  	s2 =	sadd.s32 s2, s16  }
0x8e: {  	[smem:$0x3FA2] =	sst s2  }
0x8f: {  	_ = 	snop  }
0x90: {  	(tm) =	ssettm $0x1  }
0x91: {  	s17 =	sld [smem:$0x3FFB];
	_ =	sdelay $0x3  }
0x92: {  	_ =	strace s17  }
0x93: {  	s2 =	sld [smem:$0x3FFC];
	_ =	sdelay $0x3  }
0x94: {  	_ =	strace s2  }
0x95: {  	s2 =	sld [smem:$0x3FFD];
	_ =	sdelay $0x3  }
0x96: {  	_ =	strace s2  }
0x97: {  	_ =	strace $0x8FFFFFFF  }
0x98: {  	s18 =	sld [smem:$0x3FDB];
	_ =	sdelay $0x1  }
0x99: {  	s19 =	simm.s32 $_scs_section_size  }
0x9a: {  	s4 =	simm.s32 $_size__tile_overlayer_lowered;
	s5 =	simm.s32 $_tile_overlayer_lowered  }
0x9b: {  	s22 =	simm.s32 $0x1BFF;
	s21 =	sshll.u32 s5, $0x1;
	s2 =	sadd.s32 s19, s18  }
0x9c: {  	s6 =	simm.s32 $0x0;
	s20 =	sshll.u32 s4, $0x1;
	s4 =	sadd.s32 s21, s2  }
0x9d: {  	[timem:s6], [sflag:s22] =	dma.local [hbm:s4], s20  }
0x9e: {  	_ =	swait.ge [sflag:s22], s20  }
0x9f: {  	s3 =	ssub.s32 $0x0, s20;
	[sflag:s22] =	ssyncset.done $0x0  }
0xa0: {  	[sflag:s22] =	ssyncadd.s32 s3;
	_ =	sdelay $0x1  }
0xa1: {  	s23 =	simm.s32 $0x1B8B  }
0xa2: {  	_ =	swait.ge [sflag:s23], $0x1  }
0xa3: {  	[sflag:s23] =	ssyncset.done $0x0  }
0xa4: {  	s25 =	simm.s32 $0x1B8E;
	s24 =	sld [smem:$0x3FFE];
	[sflag:s23] =	ssyncadd.s32 $0xFFFFFFFF  }
0xa5: {  	s26 =	simm.s32 $execute0_lowered;
	[smem:$0x3FD2] =	sst s25  }
0xa6: {  	s4 =	sshll.u32 s26, $0x1;
	_ =	strace $0x80000046;
	[dreg:$0x1] =	wrdreg $0xFFFFFFFF  }
0xa7: {  	s28 =	simm.s32 $_size_execute0_lowered;
	s2 =	sadd.s32 s2, s4;
	[dreg:$0x0] =	wrdreg $0x0  }
0xa8: {  	s4 =	sshll.u32 s28, $0x1;
	[dreg:$0x2] =	wrdreg s2  }
0xa9: {  	[dreg:$0x3] =	wrdreg s4  }
0xaa: {  	[dreg:$0x4] =	wrdreg $0xC0  }
0xab: {  	_ =	task [dreg:s6], $0x5FFFF  }
0xac: {  	[dreg:$0x1] =	wrdreg $0xFFFFFFFF  }
0xad: {  	[dreg:$0x0] =	wrdreg $0x60  }
0xae: {  	[dreg:$0x2] =	wrdreg s24  }
0xaf: {  	[dreg:$0x3] =	wrdreg $0xA9000  }
0xb0: {  	[dreg:$0x4] =	wrdreg $0x9  }
0xb1: {  	_ =	task.clear_ibuf [dreg:s6], $0x5FFFF;
	_ =	strace $0x90000046  }
0xb2: {  	s29 =	simm.s32 $0x9;
	_ =	strace $0x80000048  }
0xb3: {  	_ =	swait.ge [sflag:s29], $0x1  }
0xb4: {  	[sflag:s29] =	ssyncadd.s32 $0xFFFFFFFF  }
0xb5: {  	_ =	strace $0x90000048  }
0xb6: {  	_ =	sfence  }
0xb7: {  	s30 =	sld [smem:$0x0];
	_ =	sdelay $0x2  }
0xb8: {  	s31 =	sshll.u32 s1, $0xD;
	s1 =	sshrl.u32 s1, $0x2  }
0xb9: {  	s3 =	sand.u32 $0x4000, s31;
	s1 =	sadd.s32 s1, s30  }
0xba: {  	s0 =	sor.u32 s3, s0;
	s1 =	sshll.u32 s1, $0x11  }
0xbb: {  	s0 =	sor.u32 s1, s0  }
0xbc: {  	s0 =	sadd.s32 $0x8F2B, s0  }
0xbd: {  	[sflag:s0] =	ssyncadd.remote.s32 $0x1  }
0xbe: {  	_ =	sfence.sel $0xFFFF  }
0xbf: {  	[dreg:$0x0] =	wrdreg $0xFFFFFFFF;
	(pc) =	sbr.abs _section_cstart, $3  }
0xc0: {  	[dreg:$0x1] =	wrdreg $0xFFFFFFFF  }
0xc1: {  	_ =	task.clear_ibuf [dreg:s6], $0x2FFFF;
	_ =	strace $0x9FFFFFFF  }
0xc2: {  	(tm) =	ssettm $0x7FFFFFFF  }
0xc3: {  	_ =	shalt  }
tec
execute0_lowered:
.L_overlay_start_1:
0x0: {  	(tag) =	ssettag $0x1  }
0x1: {  	s5 =	rddreg [dreg:$0x0];
	s1 =	srdreg.scid  }
0x2: {  	s0 =	stileid.u32;
	s2 =	rddreg [dreg:$0x1]  }
0x3: {  	s3 =	simm.s32 $0x0;
	s17 =	simm.s32 $0x80;
	s18 =	simm.s32 $0x2900  }
0x4: {  	s19 =	simm.s32 $0x2880;
	s20 =	simm.s32 $0x6900;
	s21 =	simm.s32 $0x1  }
0x5: {  	s22 =	simm.s32 $0x3;
	s23 =	simm.s32 $0x2;
	s24 =	simm.s32 $0x4  }
0x6: {  	s6 =	sand.u32 $0x1, s1;
	s1 =	rddreg [dreg:$0x2];
	s8 =	smul.u32 $0x2800, s0  }
0x7: {  	s4 =	sshll.u32 s0, $0x1;
	[smem:$0x7FF] =	sst s3;
	s14 =	smul.u32 $0x50000, s0  }
0x8: {  	s13 =	sadd.s32 $0x38800, s5;
	s26 =	smul.u32 $0x5000, s0;
	s29 =	sshll.u32 s0, $0x6  }
0x9: {  	s4 =	sor.u32 s6, s4;
	_ =	strace $0x80000047;
	s25 =	smul.u32 $0x28000, s6  }
0xa: {  	s11 =	ssub.s32 $0x2, s6;
	s30 =	smul.u32 $0x2800, s6;
	s6 =	sor.u32 $0x1C05, s29  }
0xb: {  	s7 =	smul.u32 $0x2800, s4;
	s12 =	sshrl.u32 s11, $0x1;
	s28 =	sshrl.u32 s14, $0x2  }
0xc: {  	s4 =	sadd.s32 $0x6800, s5;
	s11 =	ssub.s32 s11, s12;
	s16 =	sadd.s32 s28, s2  }
0xd: {  	s31 =	sadd.s32 s30, s26;
	s9 =	sshrl.u32 s7, $0x3;
	s7 =	sadd.s32 s8, s25  }
0xe: {  	s12 =	sor.u32 $0x180, s31;
	s14 =	sor.u32 $0x100, s31;
	s11 =	smax.u32 s11, $0x1  }
0xf: {  	s25 =	simm.s32 $0x0;
	s10 =	sadd.s32 s9, s5;
	s15 =	sadd.s32 s7, s5  }
0x10: {  	s5 =	sadd.s32 s4, s8;
	s8 =	sadd.s32 s13, s9;
	s12 =	sshrl.u32 s12, $0x3  }
0x11: {  	s14 =	sshrl.u32 s14, $0x3;
	s7 =	sadd.s32 $0x2E800, s10;
	s9 =	sadd.s32 $0x10, s8  }
0x12: {  	s10 =	sadd.s32 $0x42800, s15;
	s12 =	sadd.s32 s12, s13;
	s13 =	sadd.s32 s14, s13  }
0x13: {  	s14 =	sshrl.u32 s16, $0x3;
	s15 =	simm.s32 $0x5;
	s16 =	simm.s32 $0x2800  }
.LBB2_1:
0x14: {  	[spmem:s14], [sflag:s6] =	dma.local [hbm:s5], $0x2800  }
0x15: {  	_ =	swait.ge [sflag:s15], $0x2800  }
0x16: {  	[sflag:s15] =	ssyncset.done $0x0  }
0x17: {  	[sflag:s15] =	ssyncadd.s32 $0xFFFFD800  }
0x18: {  	[tilespmem:s3], [sflag:$0x5] =	stream.linear.gather [hbm4b:s7+s3], $0x2800, $0x38;
	[tilespmem:$0x1E900] =	vst v63  }
0x19: {  	_ =	swait.ge [sflag:s15], $0x2800  }
0x1a: {  	[sflag:s15] =	ssyncset.done $0x0  }
0x1b: {  	[sflag:s15] =	ssyncadd.s32 $0xFFFFD800  }
0x1c: {  	[bflag:$0x0] =	sbarrier.arrive $0xFFFF  }
0x1d: {  	[tilespmem:s16], [sflag:$0x3] =	stream.linear.gather [hbm4b:s8+s3], $0x80, $0x38;
	[tilespmem:$0x1E900] =	vst v63  }
0x1e: {  	_ = 	snop  }
0x1f: {  	[tilespmem:s18], [sflag:$0x1] =	stream.indirect.gather [hbm4b:s4+s17], $0x80, s3, s17, $0xb8;
	[tilespmem:$0x1E900] =	vst v63  }
0x20: {  	_ = 	snop  }
0x21: {  	[tilespmem:s19], [sflag:$0x4] =	stream.linear.gather [hbm4b:s9+s3], $0x80, $0x38;
	[tilespmem:$0x1E900] =	vst v63  }
0x22: {  	_ = 	snop  }
0x23: {  	[tilespmem:s20], [sflag:$0x2] =	stream.indirect.gather [hbm4b:s4+s17], $0x80, s17, s17, $0xb8;
	[tilespmem:$0x1E900] =	vst v63  }
0x24: {  	_ =	swait.ge [sflag:s21], $0x4000  }
0x25: {  	[sflag:s21] =	ssyncset.done $0x0  }
0x26: {  	[sflag:s21] =	ssyncadd.s32 $0xFFFFC000  }
0x27: {  	_ =	swait.ge [sflag:s22], $0x80  }
0x28: {  	[sflag:s22] =	ssyncset.done $0x0  }
0x29: {  	[sflag:s22] =	ssyncadd.s32 $0xFFFFFF80  }
0x2a: {  	[spmem:s2] =	stream.indirect.scatter.add.f32 [tilespmem:s18], [sflag:$0x5], $0x80, s16, s17, $0xb8;
	[tilespmem:$0x1E900] =	vst v63  }
0x2b: {  	_ =	swait.ge [sflag:s15], $0x4000  }
0x2c: {  	[sflag:s15] =	ssyncset.done $0x0  }
0x2d: {  	s26 =	sadd.s32 $0x0, s13;
	[sflag:s15] =	ssyncadd.s32 $0xFFFFC000  }
0x2e: {  	[tilespmem:s16], [sflag:$0x3] =	stream.linear.gather [hbm4b:s26+s3], $0x80, $0x38;
	[tilespmem:$0x1E900] =	vst v63  }
0x2f: {  	s30 =	simm.s32 $0x100  }
0x30: {  	[tilespmem:s18], [sflag:$0x1] =	stream.indirect.gather [hbm4b:s4+s17], $0x80, s30, s17, $0xb8;
	[tilespmem:$0x1E900] =	vst v63  }
0x31: {  	_ =	swait.ge [sflag:s23], $0x4000  }
0x32: {  	[sflag:s23] =	ssyncset.done $0x0  }
0x33: {  	[sflag:s23] =	ssyncadd.s32 $0xFFFFC000  }
0x34: {  	_ =	swait.ge [sflag:s24], $0x80  }
0x35: {  	[sflag:s24] =	ssyncset.done $0x0  }
0x36: {  	[sflag:s24] =	ssyncadd.s32 $0xFFFFFF80  }
0x37: {  	[spmem:s2] =	stream.indirect.scatter.add.f32 [tilespmem:s20], [sflag:$0x5], $0x80, s19, s17, $0xb8;
	[tilespmem:$0x1E900] =	vst v63  }
0x38: {  	_ =	swait.ge [sflag:s15], $0x4000  }
0x39: {  	s31 =	sadd.s32 $0x0, s12;
	s28 =	simm.s32 $0x20;
	[sflag:s15] =	ssyncset.done $0x0  }
0x3a: {  	s29 =	simm.s32 $0x280;
	s26 =	simm.s32 $0x180;
	[sflag:s15] =	ssyncadd.s32 $0xFFFFC000  }
0x3b: {  	[tilespmem:s19], [sflag:$0x4] =	stream.linear.gather [hbm4b:s31+s3], $0x80, $0x38;
	[tilespmem:$0x1E900] =	vst v63  }
.LBB2_2:
0x3c: {  	[tilespmem:s20], [sflag:$0x2] =	stream.indirect.gather [hbm4b:s4+s17], $0x80, s26, s17, $0xb8;
	[tilespmem:$0x1E900] =	vst v63  }
0x3d: {  	s30 =	smov.u32 s28;
	s26 =	smov.u32 s29  }
0x3e: {  	p0 =	sne.s32 s28, $0x4C0;
	s28 =	sadd.s32 $0x20, s28;
	_ =	swait.ge [sflag:s21], $0x4000  }
0x3f: {  	[sflag:s21] =	ssyncset.done $0x0  }
0x40: {  	[sflag:s21] =	ssyncadd.s32 $0xFFFFC000  }
0x41: {  	_ =	swait.ge [sflag:s22], $0x80  }
0x42: {  	[sflag:s22] =	ssyncset.done $0x0  }
0x43: {  	[sflag:s22] =	ssyncadd.s32 $0xFFFFFF80  }
0x44: {  	[spmem:s2] =	stream.indirect.scatter.add.f32 [tilespmem:s18], [sflag:$0x5], $0x80, s16, s17, $0xb8;
	[tilespmem:$0x1E900] =	vst v63  }
0x45: {  	_ =	swait.ge [sflag:s15], $0x4000  }
0x46: {  	[sflag:s15] =	ssyncset.done $0x0  }
0x47: {  	s31 =	sadd.s32 s30, s13;
	[sflag:s15] =	ssyncadd.s32 $0xFFFFC000  }
0x48: {  	[tilespmem:s16], [sflag:$0x3] =	stream.linear.gather [hbm4b:s31+s3], $0x80, $0x38;
	[tilespmem:$0x1E900] =	vst v63  }
0x49: {  	s31 =	sadd.s32 $0xFFFFFF80, s29  }
0x4a: {  	[tilespmem:s18], [sflag:$0x1] =	stream.indirect.gather [hbm4b:s4+s17], $0x80, s31, s17, $0xb8;
	[tilespmem:$0x1E900] =	vst v63  }
0x4b: {  	_ =	swait.ge [sflag:s23], $0x4000  }
0x4c: {  	[sflag:s23] =	ssyncset.done $0x0  }
0x4d: {  	[sflag:s23] =	ssyncadd.s32 $0xFFFFC000  }
0x4e: {  	_ =	swait.ge [sflag:s24], $0x80  }
0x4f: {  	[sflag:s24] =	ssyncset.done $0x0  }
0x50: {  	[sflag:s24] =	ssyncadd.s32 $0xFFFFFF80  }
0x51: {  	[spmem:s2] =	stream.indirect.scatter.add.f32 [tilespmem:s20], [sflag:$0x5], $0x80, s19, s17, $0xb8;
	[tilespmem:$0x1E900] =	vst v63  }
.Ltmp0:
0x52: {  	_ =	swait.ge [sflag:s15], $0x4000;
	(pc) =	sbr.rel @p0 .LBB2_2-.Ltmp0, $4  }
0x53: {  	[sflag:s15] =	ssyncset.done $0x0  }
0x54: {  	s30 =	sadd.s32 s30, s12;
	[sflag:s15] =	ssyncadd.s32 $0xFFFFC000  }
0x55: {  	[tilespmem:s19], [sflag:$0x4] =	stream.linear.gather [hbm4b:s30+s3], $0x80, $0x38;
	[tilespmem:$0x1E900] =	vst v63  }
0x56: {  	s29 =	sadd.s32 $0x100, s29  }
0x57: {  	[tilespmem:s20], [sflag:$0x2] =	stream.indirect.gather [hbm4b:s4+s17], $0x80, s26, s17, $0xb8;
	[tilespmem:$0x1E900] =	vst v63  }
0x58: {  	_ =	swait.ge [sflag:s21], $0x4000  }
0x59: {  	[sflag:s21] =	ssyncset.done $0x0  }
0x5a: {  	[sflag:s21] =	ssyncadd.s32 $0xFFFFC000  }
0x5b: {  	_ =	swait.ge [sflag:s22], $0x80  }
0x5c: {  	[sflag:s22] =	ssyncset.done $0x0  }
0x5d: {  	[sflag:s22] =	ssyncadd.s32 $0xFFFFFF80  }
0x5e: {  	[spmem:s2] =	stream.indirect.scatter.add.f32 [tilespmem:s18], [sflag:$0x5], $0x80, s16, s17, $0xb8;
	[tilespmem:$0x1E900] =	vst v63  }
0x5f: {  	_ =	swait.ge [sflag:s15], $0x4000  }
0x60: {  	[sflag:s15] =	ssyncset.done $0x0  }
0x61: {  	[sflag:s15] =	ssyncadd.s32 $0xFFFFC000  }
0x62: {  	_ =	swait.ge [sflag:s23], $0x4000  }
0x63: {  	[sflag:s23] =	ssyncset.done $0x0  }
0x64: {  	[sflag:s23] =	ssyncadd.s32 $0xFFFFC000  }
0x65: {  	_ =	swait.ge [sflag:s24], $0x80  }
0x66: {  	[sflag:s24] =	ssyncset.done $0x0  }
0x67: {  	[sflag:s24] =	ssyncadd.s32 $0xFFFFFF80  }
0x68: {  	[spmem:s2] =	stream.indirect.scatter.add.f32 [tilespmem:s20], [sflag:$0x5], $0x80, s19, s17, $0xb8;
	[tilespmem:$0x1E900] =	vst v63  }
0x69: {  	_ =	swait.ge [sflag:s15], $0x4000  }
0x6a: {  	s25 =	sadd.s32 $0x1, s25;
	[sflag:s15] =	ssyncset.done $0x0  }
0x6b: {  	p0 =	sne.s32 s25, s11;
	[sflag:s15] =	ssyncadd.s32 $0xFFFFC000  }
.Ltmp1:
0x6c: {  	[bflag:$0x0] =	sbarrier.arrive $0xFFFF;
	(pc) =	sbr.rel @p0 .LBB2_1-.Ltmp1, $4  }
0x6d: {  	[hbm:s10], [sflag:s6] =	dma.local [spmem:s14], $0x2800  }
0x6e: {  	_ =	swait.ge [sflag:s15], $0x2800  }
0x6f: {  	[sflag:s15] =	ssyncset.done $0x0  }
0x70: {  	[sflag:s15] =	ssyncadd.s32 $0xFFFFD800  }
0x71: {  	_ =	sfence.sel $0x180000  }
0x72: {  	[bflag:$0x0] =	sbarrier.arrive $0xFFFF  }
0x73: {  	p0 =	sne.s32 s0, $0x0;
	_ =	strace $0x90000047  }
0x74: {  	s0 =	sadd.s32 @!p0 $0x100000, s1;
	[bflag:$0x2] =	sbarrier.arrive $0xFFFF  }
0x75: {  	[sflag:s0] =	ssyncadd.tile.s32 @!p0 $0x1;
	_ =	shalt  }
.Lfunc_end2:
_tile_overlayer_lowered:
.L_overlay_start_2:
0x76: {  	(tag) =	ssettag $0x2  }
0x77: {  	s0 =	rddreg [dreg:$0x0];
	s2 =	stileid.u32  }
0x78: {  	s1 =	rddreg [dreg:$0x1];
	p0 =	sne.s32 s2, $0x0  }
0x79: {  	s3 =	rddreg [dreg:$0x2];
	[bflag:$0x3] =	sbarrier.arrive $0xFFFF;
	s2 =	simm.s32 @!p0 $0x1C05  }
0x7a: {  	[timem:s3], [sflag:s2] =	dma.local @!p0 [hbm:s0], s1  }
0x7b: {  	s0 =	simm.s32 @!p0 $0x5  }
0x7c: {  	_ =	swait.ge @!p0 [sflag:s0], s1  }
0x7d: {  	s1 =	ssub.s32 @!p0 $0x0, s1;
	[sflag:s0] =	ssyncset.done @!p0 $0x0  }
0x7e: {  	[sflag:s0] =	ssyncadd.s32 @!p0 s1  }
0x7f: {  	[bflag:$0x3] =	sbarrier.arrive $0xFFFF  }
0x80: {  	_ =	shalt  }

</sc_bundles>
